<compile_context>
chip_gen: v7x
topology: tpu7x:2x2x1
jax: 0.10.2.dev20260603
libtpu: 0.0.44.dev20260713+nightly
codegen_flags: <defaults>
</compile_context>

<pallas_src>
import functools

import jax
import jax.numpy as jnp
from jax import lax
from jax.experimental import pallas as pl
from jax.experimental.pallas import tpu as pltpu
from jax.experimental.pallas import tpu_sc as plsc

N_NODES = 10000
N_EDGES = 320000
D = 128

NC = 2
NS = 16
NW = NC * NS
L = 16

EB = 128
NBLK = 2560
EPAD = NBLK * EB
NP = 10112
RPT = NP // NS

FAST_CID = 0
BF = 112
BS = 48
NBLK_ALLOC = NBLK + BF - BS


def _fill_rows(rows_v, value):
    vv = jnp.full((L,), value, jnp.float32)

    def frow(r, carry):
        for j in range(D // L):
            rows_v[r, pl.ds(j * L, L)] = vv
        return carry

    lax.fori_loop(0, EB, frow, 0)


def _zero_acc_slice(rows_v, acc_sh, row0):
    for k in range(RPT // EB):
        pltpu.sync_copy(rows_v, acc_sh.at[pl.ds(row0 + k * EB, EB)])
    rem = RPT % EB
    if rem:
        pltpu.sync_copy(rows_v.at[pl.ds(0, rem)],
                        acc_sh.at[pl.ds(row0 + (RPT // EB) * EB, rem)])


@functools.lru_cache(maxsize=None)
def _make_sc_agg(with_counts):
    mesh = plsc.VectorSubcoreMesh(core_axis_name="c", subcore_axis_name="s")

    def body(x_hbm, src_hbm, dst_hbm, *rest):
        if with_counts:
            out_hbm, cnt_hbm, src_v, dst_v, rows_v, acc_sh, sem = rest
        else:
            out_hbm, src_v, dst_v, rows_v, acc_sh, sem = rest
        cid = lax.axis_index("c")
        sid = lax.axis_index("s")
        row0 = sid * RPT
        nblk = jnp.where(cid == FAST_CID, BF, BS)
        base = pl.multiple_of(
            jnp.where(cid == FAST_CID, sid * BF, NS * BF + sid * BS), 8)

        _fill_rows(rows_v, 0.0)
        _zero_acc_slice(rows_v, acc_sh, row0)

        pltpu.sync_copy(src_hbm.at[pl.ds(base, BF)], src_v)
        pltpu.sync_copy(dst_hbm.at[pl.ds(base, BF)], dst_v)
        plsc.subcore_barrier()

        def blk(i, carry):
            pltpu.async_copy(x_hbm.at[src_v.at[i]], rows_v, sem).wait()
            pltpu.sync_copy(rows_v, acc_sh.at[dst_v.at[i]], add=True)
            return carry

        lax.fori_loop(0, nblk, blk, 0)
        plsc.subcore_barrier()

        pltpu.sync_copy(acc_sh.at[pl.ds(row0, RPT)],
                        out_hbm.at[cid, pl.ds(row0, RPT)])

        if with_counts:
            plsc.subcore_barrier()
            _fill_rows(rows_v, 0.0)
            _zero_acc_slice(rows_v, acc_sh, row0)
            _fill_rows(rows_v, 1.0)
            plsc.subcore_barrier()

            def cblk(i, carry):
                pltpu.async_copy(rows_v, acc_sh.at[dst_v.at[i]], sem,
                                 add=True)
                return carry

            lax.fori_loop(0, nblk, cblk, 0)

            def cdrain(i, carry):
                pltpu.make_async_copy(rows_v, acc_sh.at[dst_v.at[0]],
                                      sem).wait()
                return carry

            lax.fori_loop(0, nblk, cdrain, 0)
            plsc.subcore_barrier()
            pltpu.sync_copy(acc_sh.at[pl.ds(row0, RPT)],
                            cnt_hbm.at[cid, pl.ds(row0, RPT)])

    shape = jax.ShapeDtypeStruct((NC, NP, D), jnp.float32)
    return pl.kernel(
        body,
        out_type=(shape, shape) if with_counts else shape,
        mesh=mesh,
        scratch_types=[
            pltpu.VMEM((BF, EB), jnp.int32),
            pltpu.VMEM((BF, EB), jnp.int32),
            pltpu.VMEM((EB, D), jnp.float32),
            pltpu.VMEM_SHARED((NP, D), jnp.float32),
            pltpu.SemaphoreType.DMA,
        ],
    )


def _dense1_body(p_ref, c_ref, x_ref, wl_ref, bl_ref, wr_ref, g_ref, be_ref,
                 h_ref, ic_ref):
    s = p_ref[0, :N_NODES, :] + p_ref[1, :N_NODES, :]
    cnt = c_ref[0, :N_NODES, 0:1] + c_ref[1, :N_NODES, 0:1]
    inv = 1.0 / jnp.maximum(cnt, 1.0)
    mean = s * inv
    out = (lax.dot_general(mean, wl_ref[...], (((1,), (1,)), ((), ())),
                           preferred_element_type=jnp.float32)
           + bl_ref[...]
           + lax.dot_general(x_ref[...], wr_ref[...], (((1,), (1,)), ((), ())),
                             preferred_element_type=jnp.float32))
    nrm = jnp.sqrt(jnp.sum(out * out, axis=1, keepdims=True))
    out = out / jnp.maximum(nrm, 1e-12)
    mu = jnp.mean(out, axis=0, keepdims=True)
    var = jnp.mean((out - mu) ** 2, axis=0, keepdims=True)
    out = (out - mu) * lax.rsqrt(var + 1e-5) * g_ref[...] + be_ref[...]
    h_ref[...] = jnp.maximum(out, 0.0)
    ic_ref[...] = inv


def _dense2_body(p_ref, h_ref, ic_ref, wl_ref, bl_ref, wr_ref, o_ref):
    s = p_ref[0, :N_NODES, :] + p_ref[1, :N_NODES, :]
    mean = s * ic_ref[...]
    out = (lax.dot_general(mean, wl_ref[...], (((1,), (1,)), ((), ())),
                           preferred_element_type=jnp.float32)
           + bl_ref[...]
           + lax.dot_general(h_ref[...], wr_ref[...], (((1,), (1,)), ((), ())),
                             preferred_element_type=jnp.float32))
    nrm = jnp.sqrt(jnp.sum(out * out, axis=1, keepdims=True))
    o_ref[...] = out / jnp.maximum(nrm, 1e-12)


_dense1 = pl.pallas_call(
    _dense1_body,
    out_shape=(jax.ShapeDtypeStruct((N_NODES, D), jnp.float32),
               jax.ShapeDtypeStruct((N_NODES, 1), jnp.float32)),
)

_dense2 = pl.pallas_call(
    _dense2_body,
    out_shape=jax.ShapeDtypeStruct((N_NODES, D), jnp.float32),
)




def kernel(x, edge_index, W1l, b1l, W1r, W2l, b2l, W2r, gamma, beta):
    src = edge_index[0].astype(jnp.int32)
    dst = edge_index[1].astype(jnp.int32)
    pad = NBLK_ALLOC * EB - N_EDGES
    srcp = jnp.concatenate([src, jnp.zeros((pad,), jnp.int32)]).reshape(
        NBLK_ALLOC, EB)
    dstp = jnp.concatenate([dst, jnp.full((pad,), N_NODES, jnp.int32)]
                           ).reshape(NBLK_ALLOC, EB)

    p1, cnts = _make_sc_agg(True)(x, srcp, dstp)
    h, inv = _dense1(p1, cnts, x, W1l, b1l.reshape(1, D), W1r,
                     gamma.reshape(1, D), beta.reshape(1, D))
    p2 = _make_sc_agg(False)(h, srcp, dstp)
    out = _dense2(p2, h, inv, W2l, b2l.reshape(1, D), W2r)
    return out

# --- scband reference (transcript-rebuilt; emitter-appended) ---
"""Pipeline reference for scband-gnn-39075612459051 (READ-ONLY COPY).

The authoritative reference and input builder live on the scoring server;
editing this copy changes nothing except your own understanding.
"""

import jax, jax.numpy as jnp
import numpy as np

N_NODES = 10000
N_EDGES = 320000
D = 128

def setup_inputs(seed: int = 0) -> dict:
    key = jax.random.key(seed)
    ks = jax.random.split(key, 12)
    x = jax.random.normal(ks[0], (N_NODES, D), dtype=jnp.float32)
    edge_index = jax.random.randint(ks[1], (2, N_EDGES), 0, N_NODES, dtype=jnp.int64 if jax.config.jax_enable_x64 else jnp.int32)
    s = 1.0 / np.sqrt(D)
    W1l = jax.random.uniform(ks[2], (D, D), jnp.float32, -s, s)
    b1l = jax.random.uniform(ks[3], (D,), jnp.float32, -s, s)
    W1r = jax.random.uniform(ks[4], (D, D), jnp.float32, -s, s)
    W2l = jax.random.uniform(ks[5], (D, D), jnp.float32, -s, s)
    b2l = jax.random.uniform(ks[6], (D,), jnp.float32, -s, s)
    W2r = jax.random.uniform(ks[7], (D, D), jnp.float32, -s, s)
    gamma = jnp.ones((D,), jnp.float32)
    beta = jnp.zeros((D,), jnp.float32)
    return {"x": x, "edge_index": edge_index, "W1l": W1l, "b1l": b1l, "W1r": W1r,
            "W2l": W2l, "b2l": b2l, "W2r": W2r, "gamma": gamma, "beta": beta}

def _sage_conv(x, edge_index, Wl, bl, Wr, normalize=True):
    src = edge_index[0]
    dst = edge_index[1]
    msgs = jnp.take(x, src, axis=0)
    summed = jax.ops.segment_sum(msgs, dst, num_segments=N_NODES)
    counts = jax.ops.segment_sum(jnp.ones((msgs.shape[0],), jnp.float32), dst, num_segments=N_NODES)
    mean = summed / jnp.clip(counts, 1.0, None)[:, None]
    out = mean @ Wl.T + bl + x @ Wr.T
    if normalize:
        nrm = jnp.linalg.norm(out, axis=-1, keepdims=True)
        out = out / jnp.clip(nrm, 1e-12, None)
    return out

def _batch_norm(x, gamma, beta, eps=1e-5):
    mu = jnp.mean(x, axis=0, keepdims=True)
    var = jnp.mean((x - mu) ** 2, axis=0, keepdims=True)
    return (x - mu) / jnp.sqrt(var + eps) * gamma + beta

def reference(x, edge_index, W1l, b1l, W1r, W2l, b2l, W2r, gamma, beta):
    h = _sage_conv(x, edge_index, W1l, b1l, W1r, normalize=True)
    h = _batch_norm(h, gamma, beta)
    h = jax.nn.relu(h)
    # dropout p=0.0 -> identity
    out = _sage_conv(h, edge_index, W2l, b2l, W2r, normalize=True)
    return out

if __name__ == "__main__":
    import jax
    _d = setup_inputs()
    print(jax.jit(kernel)(*tuple(_d.values())))

</pallas_src>

<mosaic_0001>
#map = affine_map<(d0, d1) -> (0, 0)>
#map1 = affine_map<(d0, d1) -> (0, 0, 0)>
module attributes {stable_mosaic.version = 14 : i64} {
  func.func @body(%arg0: i32, %arg1: i32, %arg2: memref<10000x128xf32, #tpu.memory_space<hbm>>, %arg3: memref<2624x128xi32, #tpu.memory_space<hbm>>, %arg4: memref<2624x128xi32, #tpu.memory_space<hbm>>, %arg5: memref<2x10112x128xf32, #tpu.memory_space<hbm>>, %arg6: memref<112x128xi32, #tpu.memory_space<vmem>>, %arg7: memref<112x128xi32, #tpu.memory_space<vmem>>, %arg8: memref<128x128xf32, #tpu.memory_space<vmem>>, %arg9: memref<10112x128xf32, #tpu.memory_space<vmem_shared>>, %arg10: memref<!tpu.dma_semaphore, #tpu.memory_space<semaphore_mem>>) attributes {dimension_semantics = [#tpu.dimension_semantics<core_parallel>, #tpu.dimension_semantics<subcore_parallel>], iteration_bounds = array<i64: 2, 16>, scalar_prefetch = 0 : i64, scratch_operands = 5 : i64, tpu.core_type = #tpu.core_type<sc_vector_subcore>, window_params = [{transform_indices = #map}, {transform_indices = #map}, {transform_indices = #map}, {transform_indices = #map1}]} {
    %mul3A = arith.constant 632 : i32
    %mul3A_0 = arith.muli %arg1, %mul3A : i32
    %eq3A = arith.constant 0 : i32
    %eq3A_1 = arith.cmpi eq, %arg0, %eq3A : i32
    %jit3A = arith.constant 112 : i32
    %jit3A_2 = arith.constant 48 : i32
    %select_n3A = arith.select %eq3A_1, %jit3A, %jit3A_2 : i32
    %eq3A_3 = arith.constant 0 : i32
    %eq3A_4 = arith.cmpi eq, %arg0, %eq3A_3 : i32
    %mul3A_5 = arith.constant 112 : i32
    %mul3A_6 = arith.muli %arg1, %mul3A_5 : i32
    %mul3A_7 = arith.constant 48 : i32
    %mul3A_8 = arith.muli %arg1, %mul3A_7 : i32
    %add3A = arith.constant 1792 : i32
    %add3A_9 = arith.addi %add3A, %mul3A_8 : i32
    %select_n3A_10 = arith.select %eq3A_4, %mul3A_6, %add3A_9 : i32
    %multiple_of3A = tpu.assume_multiple %select_n3A_10, 8 : i32
    %broadcast_in_dim3A = arith.constant 0.000000e+00 : f32
    %broadcast_in_dim3A_11 = vector.broadcast %broadcast_in_dim3A : f32 to vector<16xf32>
    %scan3A = arith.constant 0 : i32
    %scan3A_12 = arith.constant 0 : i32
    %scan3A_13 = arith.constant 128 : i32
    %scan3A_14 = arith.addi %scan3A_12, %scan3A_13 : i32
    %scan3A_15 = arith.constant 1 : i32
    scf.for %scan3A_37 = %scan3A_12 to %scan3A_14 step %scan3A_15  : i32 {
      %swap3A = arith.index_cast %scan3A_37 : i32 to index
      %swap3A_38 = arith.constant 0 : index
      %swap3A_39 = tpu.vector_load %arg8[%swap3A, %swap3A_38] {strides = array<i32>} : memref<128x128xf32, #tpu.memory_space<vmem>>, vector<1x16xf32>,
      %swap3A_40 = vector.shape_cast %swap3A_39 : vector<1x16xf32> to vector<16xf32>
      %swap3A_41 = vector.shape_cast %broadcast_in_dim3A_11 : vector<16xf32> to vector<1x16xf32>
      tpu.vector_store %arg8[%swap3A, %swap3A_38], %swap3A_41 {strides = array<i32>} : memref<128x128xf32, #tpu.memory_space<vmem>>, vector<1x16xf32>,
      %swap3A_42 = arith.index_cast %scan3A_37 : i32 to index
      %swap3A_43 = arith.constant 16 : index
      %swap3A_44 = tpu.vector_load %arg8[%swap3A_42, %swap3A_43] {strides = array<i32>} : memref<128x128xf32, #tpu.memory_space<vmem>>, vector<1x16xf32>,
      %swap3A_45 = vector.shape_cast %swap3A_44 : vector<1x16xf32> to vector<16xf32>
      %swap3A_46 = vector.shape_cast %broadcast_in_dim3A_11 : vector<16xf32> to vector<1x16xf32>
      tpu.vector_store %arg8[%swap3A_42, %swap3A_43], %swap3A_46 {strides = array<i32>} : memref<128x128xf32, #tpu.memory_space<vmem>>, vector<1x16xf32>,
      %swap3A_47 = arith.index_cast %scan3A_37 : i32 to index
      %swap3A_48 = arith.constant 32 : index
      %swap3A_49 = tpu.vector_load %arg8[%swap3A_47, %swap3A_48] {strides = array<i32>} : memref<128x128xf32, #tpu.memory_space<vmem>>, vector<1x16xf32>,
      %swap3A_50 = vector.shape_cast %swap3A_49 : vector<1x16xf32> to vector<16xf32>
      %swap3A_51 = vector.shape_cast %broadcast_in_dim3A_11 : vector<16xf32> to vector<1x16xf32>
      tpu.vector_store %arg8[%swap3A_47, %swap3A_48], %swap3A_51 {strides = array<i32>} : memref<128x128xf32, #tpu.memory_space<vmem>>, vector<1x16xf32>,
      %swap3A_52 = arith.index_cast %scan3A_37 : i32 to index
      %swap3A_53 = arith.constant 48 : index
      %swap3A_54 = tpu.vector_load %arg8[%swap3A_52, %swap3A_53] {strides = array<i32>} : memref<128x128xf32, #tpu.memory_space<vmem>>, vector<1x16xf32>,
      %swap3A_55 = vector.shape_cast %swap3A_54 : vector<1x16xf32> to vector<16xf32>
      %swap3A_56 = vector.shape_cast %broadcast_in_dim3A_11 : vector<16xf32> to vector<1x16xf32>
      tpu.vector_store %arg8[%swap3A_52, %swap3A_53], %swap3A_56 {strides = array<i32>} : memref<128x128xf32, #tpu.memory_space<vmem>>, vector<1x16xf32>,
      %swap3A_57 = arith.index_cast %scan3A_37 : i32 to index
      %swap3A_58 = arith.constant 64 : index
      %swap3A_59 = tpu.vector_load %arg8[%swap3A_57, %swap3A_58] {strides = array<i32>} : memref<128x128xf32, #tpu.memory_space<vmem>>, vector<1x16xf32>,
      %swap3A_60 = vector.shape_cast %swap3A_59 : vector<1x16xf32> to vector<16xf32>
      %swap3A_61 = vector.shape_cast %broadcast_in_dim3A_11 : vector<16xf32> to vector<1x16xf32>
      tpu.vector_store %arg8[%swap3A_57, %swap3A_58], %swap3A_61 {strides = array<i32>} : memref<128x128xf32, #tpu.memory_space<vmem>>, vector<1x16xf32>,
      %swap3A_62 = arith.index_cast %scan3A_37 : i32 to index
      %swap3A_63 = arith.constant 80 : index
      %swap3A_64 = tpu.vector_load %arg8[%swap3A_62, %swap3A_63] {strides = array<i32>} : memref<128x128xf32, #tpu.memory_space<vmem>>, vector<1x16xf32>,
      %swap3A_65 = vector.shape_cast %swap3A_64 : vector<1x16xf32> to vector<16xf32>
      %swap3A_66 = vector.shape_cast %broadcast_in_dim3A_11 : vector<16xf32> to vector<1x16xf32>
      tpu.vector_store %arg8[%swap3A_62, %swap3A_63], %swap3A_66 {strides = array<i32>} : memref<128x128xf32, #tpu.memory_space<vmem>>, vector<1x16xf32>,
      %swap3A_67 = arith.index_cast %scan3A_37 : i32 to index
      %swap3A_68 = arith.constant 96 : index
      %swap3A_69 = tpu.vector_load %arg8[%swap3A_67, %swap3A_68] {strides = array<i32>} : memref<128x128xf32, #tpu.memory_space<vmem>>, vector<1x16xf32>,
      %swap3A_70 = vector.shape_cast %swap3A_69 : vector<1x16xf32> to vector<16xf32>
      %swap3A_71 = vector.shape_cast %broadcast_in_dim3A_11 : vector<16xf32> to vector<1x16xf32>
      tpu.vector_store %arg8[%swap3A_67, %swap3A_68], %swap3A_71 {strides = array<i32>} : memref<128x128xf32, #tpu.memory_space<vmem>>, vector<1x16xf32>,
      %swap3A_72 = arith.index_cast %scan3A_37 : i32 to index
      %swap3A_73 = arith.constant 112 : index
      %swap3A_74 = tpu.vector_load %arg8[%swap3A_72, %swap3A_73] {strides = array<i32>} : memref<128x128xf32, #tpu.memory_space<vmem>>, vector<1x16xf32>,
      %swap3A_75 = vector.shape_cast %swap3A_74 : vector<1x16xf32> to vector<16xf32>
      %swap3A_76 = vector.shape_cast %broadcast_in_dim3A_11 : vector<16xf32> to vector<1x16xf32>
      tpu.vector_store %arg8[%swap3A_72, %swap3A_73], %swap3A_76 {strides = array<i32>} : memref<128x128xf32, #tpu.memory_space<vmem>>, vector<1x16xf32>,
    }
    %scan3A_16 = arith.constant 128 : i32
    %add3A_17 = arith.constant 0 : i32
    %add3A_18 = arith.addi %mul3A_0, %add3A_17 : i32
    "tpu.region"() ({
      %run_scoped3A = tpu.sem_alloc : memref<!tpu.dma_semaphore, #tpu.memory_space<semaphore_mem>>
      %dma_start3A = arith.constant 0 : i32
      %dma_start3A_37 = tpu.memref_slice %arg9[%add3A_18, %dma_start3A] : memref<10112x128xf32, #tpu.memory_space<vmem_shared>> -> memref<128x128xf32, #tpu.memory_space<vmem_shared>>
      %dma_start3A_38 = arith.constant 0 : i32
      %dma_start3A_39 = tpu.memref_slice %arg9[%add3A_18, %dma_start3A_38] : memref<10112x128xf32, #tpu.memory_space<vmem_shared>> -> memref<128x128xf32, #tpu.memory_space<vmem_shared>>
      tpu.enqueue_dma source(%arg8 : memref<128x128xf32, #tpu.memory_space<vmem>>) target(%dma_start3A_39 : memref<128x128xf32, #tpu.memory_space<vmem_shared>>) target_semaphore(%run_scoped3A : memref<!tpu.dma_semaphore, #tpu.memory_space<semaphore_mem>>)
      %dma_wait3A = arith.constant 0 : i32
      %dma_wait3A_40 = tpu.memref_slice %arg9[%add3A_18, %dma_wait3A] : memref<10112x128xf32, #tpu.memory_space<vmem_shared>> -> memref<128x128xf32, #tpu.memory_space<vmem_shared>>
      %dma_wait3A_41 = arith.constant 0 : i32
      %dma_wait3A_42 = tpu.memref_slice %arg9[%add3A_18, %dma_wait3A_41] : memref<10112x128xf32, #tpu.memory_space<vmem_shared>> -> memref<128x128xf32, #tpu.memory_space<vmem_shared>>
      tpu.wait_dma2 semaphore(%run_scoped3A : memref<!tpu.dma_semaphore, #tpu.memory_space<semaphore_mem>>) src(%arg8 : memref<128x128xf32, #tpu.memory_space<vmem>>) dst(%dma_wait3A_42 : memref<128x128xf32, #tpu.memory_space<vmem_shared>>)
      tpu.yield
    }) : () -> ()
    %add3A_19 = arith.constant 128 : i32
    %add3A_20 = arith.addi %mul3A_0, %add3A_19 : i32
    "tpu.region"() ({
      %run_scoped3A = tpu.sem_alloc : memref<!tpu.dma_semaphore, #tpu.memory_space<semaphore_mem>>
      %dma_start3A = arith.constant 0 : i32
      %dma_start3A_37 = tpu.memref_slice %arg9[%add3A_20, %dma_start3A] : memref<10112x128xf32, #tpu.memory_space<vmem_shared>> -> memref<128x128xf32, #tpu.memory_space<vmem_shared>>
      %dma_start3A_38 = arith.constant 0 : i32
      %dma_start3A_39 = tpu.memref_slice %arg9[%add3A_20, %dma_start3A_38] : memref<10112x128xf32, #tpu.memory_space<vmem_shared>> -> memref<128x128xf32, #tpu.memory_space<vmem_shared>>
      tpu.enqueue_dma source(%arg8 : memref<128x128xf32, #tpu.memory_space<vmem>>) target(%dma_start3A_39 : memref<128x128xf32, #tpu.memory_space<vmem_shared>>) target_semaphore(%run_scoped3A : memref<!tpu.dma_semaphore, #tpu.memory_space<semaphore_mem>>)
      %dma_wait3A = arith.constant 0 : i32
      %dma_wait3A_40 = tpu.memref_slice %arg9[%add3A_20, %dma_wait3A] : memref<10112x128xf32, #tpu.memory_space<vmem_shared>> -> memref<128x128xf32, #tpu.memory_space<vmem_shared>>
      %dma_wait3A_41 = arith.constant 0 : i32
      %dma_wait3A_42 = tpu.memref_slice %arg9[%add3A_20, %dma_wait3A_41] : memref<10112x128xf32, #tpu.memory_space<vmem_shared>> -> memref<128x128xf32, #tpu.memory_space<vmem_shared>>
      tpu.wait_dma2 semaphore(%run_scoped3A : memref<!tpu.dma_semaphore, #tpu.memory_space<semaphore_mem>>) src(%arg8 : memref<128x128xf32, #tpu.memory_space<vmem>>) dst(%dma_wait3A_42 : memref<128x128xf32, #tpu.memory_space<vmem_shared>>)
      tpu.yield
    }) : () -> ()
    %add3A_21 = arith.constant 256 : i32
    %add3A_22 = arith.addi %mul3A_0, %add3A_21 : i32
    "tpu.region"() ({
      %run_scoped3A = tpu.sem_alloc : memref<!tpu.dma_semaphore, #tpu.memory_space<semaphore_mem>>
      %dma_start3A = arith.constant 0 : i32
      %dma_start3A_37 = tpu.memref_slice %arg9[%add3A_22, %dma_start3A] : memref<10112x128xf32, #tpu.memory_space<vmem_shared>> -> memref<128x128xf32, #tpu.memory_space<vmem_shared>>
      %dma_start3A_38 = arith.constant 0 : i32
      %dma_start3A_39 = tpu.memref_slice %arg9[%add3A_22, %dma_start3A_38] : memref<10112x128xf32, #tpu.memory_space<vmem_shared>> -> memref<128x128xf32, #tpu.memory_space<vmem_shared>>
      tpu.enqueue_dma source(%arg8 : memref<128x128xf32, #tpu.memory_space<vmem>>) target(%dma_start3A_39 : memref<128x128xf32, #tpu.memory_space<vmem_shared>>) target_semaphore(%run_scoped3A : memref<!tpu.dma_semaphore, #tpu.memory_space<semaphore_mem>>)
      %dma_wait3A = arith.constant 0 : i32
      %dma_wait3A_40 = tpu.memref_slice %arg9[%add3A_22, %dma_wait3A] : memref<10112x128xf32, #tpu.memory_space<vmem_shared>> -> memref<128x128xf32, #tpu.memory_space<vmem_shared>>
      %dma_wait3A_41 = arith.constant 0 : i32
      %dma_wait3A_42 = tpu.memref_slice %arg9[%add3A_22, %dma_wait3A_41] : memref<10112x128xf32, #tpu.memory_space<vmem_shared>> -> memref<128x128xf32, #tpu.memory_space<vmem_shared>>
      tpu.wait_dma2 semaphore(%run_scoped3A : memref<!tpu.dma_semaphore, #tpu.memory_space<semaphore_mem>>) src(%arg8 : memref<128x128xf32, #tpu.memory_space<vmem>>) dst(%dma_wait3A_42 : memref<128x128xf32, #tpu.memory_space<vmem_shared>>)
      tpu.yield
    }) : () -> ()
    %add3A_23 = arith.constant 384 : i32
    %add3A_24 = arith.addi %mul3A_0, %add3A_23 : i32
    "tpu.region"() ({
      %run_scoped3A = tpu.sem_alloc : memref<!tpu.dma_semaphore, #tpu.memory_space<semaphore_mem>>
      %dma_start3A = arith.constant 0 : i32
      %dma_start3A_37 = tpu.memref_slice %arg9[%add3A_24, %dma_start3A] : memref<10112x128xf32, #tpu.memory_space<vmem_shared>> -> memref<128x128xf32, #tpu.memory_space<vmem_shared>>
      %dma_start3A_38 = arith.constant 0 : i32
      %dma_start3A_39 = tpu.memref_slice %arg9[%add3A_24, %dma_start3A_38] : memref<10112x128xf32, #tpu.memory_space<vmem_shared>> -> memref<128x128xf32, #tpu.memory_space<vmem_shared>>
      tpu.enqueue_dma source(%arg8 : memref<128x128xf32, #tpu.memory_space<vmem>>) target(%dma_start3A_39 : memref<128x128xf32, #tpu.memory_space<vmem_shared>>) target_semaphore(%run_scoped3A : memref<!tpu.dma_semaphore, #tpu.memory_space<semaphore_mem>>)
      %dma_wait3A = arith.constant 0 : i32
      %dma_wait3A_40 = tpu.memref_slice %arg9[%add3A_24, %dma_wait3A] : memref<10112x128xf32, #tpu.memory_space<vmem_shared>> -> memref<128x128xf32, #tpu.memory_space<vmem_shared>>
      %dma_wait3A_41 = arith.constant 0 : i32
      %dma_wait3A_42 = tpu.memref_slice %arg9[%add3A_24, %dma_wait3A_41] : memref<10112x128xf32, #tpu.memory_space<vmem_shared>> -> memref<128x128xf32, #tpu.memory_space<vmem_shared>>
      tpu.wait_dma2 semaphore(%run_scoped3A : memref<!tpu.dma_semaphore, #tpu.memory_space<semaphore_mem>>) src(%arg8 : memref<128x128xf32, #tpu.memory_space<vmem>>) dst(%dma_wait3A_42 : memref<128x128xf32, #tpu.memory_space<vmem_shared>>)
      tpu.yield
    }) : () -> ()
    %add3A_25 = arith.constant 512 : i32
    %add3A_26 = arith.addi %mul3A_0, %add3A_25 : i32
    "tpu.region"() ({
      %run_scoped3A = tpu.sem_alloc : memref<!tpu.dma_semaphore, #tpu.memory_space<semaphore_mem>>
      %dma_start3A = arith.constant 0 : i32
      %dma_start3A_37 = arith.constant 0 : i32
      %dma_start3A_38 = tpu.memref_slice %arg8[%dma_start3A, %dma_start3A_37] : memref<128x128xf32, #tpu.memory_space<vmem>> -> memref<120x128xf32, #tpu.memory_space<vmem>>
      %dma_start3A_39 = arith.constant 0 : i32
      %dma_start3A_40 = tpu.memref_slice %arg9[%add3A_26, %dma_start3A_39] : memref<10112x128xf32, #tpu.memory_space<vmem_shared>> -> memref<120x128xf32, #tpu.memory_space<vmem_shared>>
      %dma_start3A_41 = arith.constant 0 : i32
      %dma_start3A_42 = tpu.memref_slice %arg9[%add3A_26, %dma_start3A_41] : memref<10112x128xf32, #tpu.memory_space<vmem_shared>> -> memref<120x128xf32, #tpu.memory_space<vmem_shared>>
      %dma_start3A_43 = arith.constant 0 : i32
      %dma_start3A_44 = arith.constant 0 : i32
      %dma_start3A_45 = tpu.memref_slice %arg8[%dma_start3A_43, %dma_start3A_44] : memref<128x128xf32, #tpu.memory_space<vmem>> -> memref<120x128xf32, #tpu.memory_space<vmem>>
      tpu.enqueue_dma source(%dma_start3A_45 : memref<120x128xf32, #tpu.memory_space<vmem>>) target(%dma_start3A_42 : memref<120x128xf32, #tpu.memory_space<vmem_shared>>) target_semaphore(%run_scoped3A : memref<!tpu.dma_semaphore, #tpu.memory_space<semaphore_mem>>)
      %dma_wait3A = arith.constant 0 : i32
      %dma_wait3A_46 = arith.constant 0 : i32
      %dma_wait3A_47 = tpu.memref_slice %arg8[%dma_wait3A, %dma_wait3A_46] : memref<128x128xf32, #tpu.memory_space<vmem>> -> memref<120x128xf32, #tpu.memory_space<vmem>>
      %dma_wait3A_48 = arith.constant 0 : i32
      %dma_wait3A_49 = tpu.memref_slice %arg9[%add3A_26, %dma_wait3A_48] : memref<10112x128xf32, #tpu.memory_space<vmem_shared>> -> memref<120x128xf32, #tpu.memory_space<vmem_shared>>
      %dma_wait3A_50 = arith.constant 0 : i32
      %dma_wait3A_51 = tpu.memref_slice %arg9[%add3A_26, %dma_wait3A_50] : memref<10112x128xf32, #tpu.memory_space<vmem_shared>> -> memref<120x128xf32, #tpu.memory_space<vmem_shared>>
      %dma_wait3A_52 = arith.constant 0 : i32
      %dma_wait3A_53 = arith.constant 0 : i32
      %dma_wait3A_54 = tpu.memref_slice %arg8[%dma_wait3A_52, %dma_wait3A_53] : memref<128x128xf32, #tpu.memory_space<vmem>> -> memref<120x128xf32, #tpu.memory_space<vmem>>
      tpu.wait_dma2 semaphore(%run_scoped3A : memref<!tpu.dma_semaphore, #tpu.memory_space<semaphore_mem>>) src(%dma_wait3A_54 : memref<120x128xf32, #tpu.memory_space<vmem>>) dst(%dma_wait3A_51 : memref<120x128xf32, #tpu.memory_space<vmem_shared>>)
      tpu.yield
    }) : () -> ()
    "tpu.region"() ({
      %run_scoped3A = tpu.sem_alloc : memref<!tpu.dma_semaphore, #tpu.memory_space<semaphore_mem>>
      %dma_start3A = arith.constant 0 : i32
      %dma_start3A_37 = tpu.memref_slice %arg3[%multiple_of3A, %dma_start3A] : memref<2624x128xi32, #tpu.memory_space<hbm>> -> memref<112x128xi32, #tpu.memory_space<hbm>>
      %dma_start3A_38 = arith.constant 0 : i32
      %dma_start3A_39 = tpu.memref_slice %arg3[%multiple_of3A, %dma_start3A_38] : memref<2624x128xi32, #tpu.memory_space<hbm>> -> memref<112x128xi32, #tpu.memory_space<hbm>>
      tpu.enqueue_dma source(%dma_start3A_39 : memref<112x128xi32, #tpu.memory_space<hbm>>) target(%arg6 : memref<112x128xi32, #tpu.memory_space<vmem>>) target_semaphore(%run_scoped3A : memref<!tpu.dma_semaphore, #tpu.memory_space<semaphore_mem>>)
      %dma_wait3A = arith.constant 0 : i32
      %dma_wait3A_40 = tpu.memref_slice %arg3[%multiple_of3A, %dma_wait3A] : memref<2624x128xi32, #tpu.memory_space<hbm>> -> memref<112x128xi32, #tpu.memory_space<hbm>>
      %dma_wait3A_41 = arith.constant 0 : i32
      %dma_wait3A_42 = tpu.memref_slice %arg3[%multiple_of3A, %dma_wait3A_41] : memref<2624x128xi32, #tpu.memory_space<hbm>> -> memref<112x128xi32, #tpu.memory_space<hbm>>
      tpu.wait_dma2 semaphore(%run_scoped3A : memref<!tpu.dma_semaphore, #tpu.memory_space<semaphore_mem>>) src(%dma_wait3A_42 : memref<112x128xi32, #tpu.memory_space<hbm>>) dst(%arg6 : memref<112x128xi32, #tpu.memory_space<vmem>>)
      tpu.yield
    }) : () -> ()
    "tpu.region"() ({
      %run_scoped3A = tpu.sem_alloc : memref<!tpu.dma_semaphore, #tpu.memory_space<semaphore_mem>>
      %dma_start3A = arith.constant 0 : i32
      %dma_start3A_37 = tpu.memref_slice %arg4[%multiple_of3A, %dma_start3A] : memref<2624x128xi32, #tpu.memory_space<hbm>> -> memref<112x128xi32, #tpu.memory_space<hbm>>
      %dma_start3A_38 = arith.constant 0 : i32
      %dma_start3A_39 = tpu.memref_slice %arg4[%multiple_of3A, %dma_start3A_38] : memref<2624x128xi32, #tpu.memory_space<hbm>> -> memref<112x128xi32, #tpu.memory_space<hbm>>
      tpu.enqueue_dma source(%dma_start3A_39 : memref<112x128xi32, #tpu.memory_space<hbm>>) target(%arg7 : memref<112x128xi32, #tpu.memory_space<vmem>>) target_semaphore(%run_scoped3A : memref<!tpu.dma_semaphore, #tpu.memory_space<semaphore_mem>>)
      %dma_wait3A = arith.constant 0 : i32
      %dma_wait3A_40 = tpu.memref_slice %arg4[%multiple_of3A, %dma_wait3A] : memref<2624x128xi32, #tpu.memory_space<hbm>> -> memref<112x128xi32, #tpu.memory_space<hbm>>
      %dma_wait3A_41 = arith.constant 0 : i32
      %dma_wait3A_42 = tpu.memref_slice %arg4[%multiple_of3A, %dma_wait3A_41] : memref<2624x128xi32, #tpu.memory_space<hbm>> -> memref<112x128xi32, #tpu.memory_space<hbm>>
      tpu.wait_dma2 semaphore(%run_scoped3A : memref<!tpu.dma_semaphore, #tpu.memory_space<semaphore_mem>>) src(%dma_wait3A_42 : memref<112x128xi32, #tpu.memory_space<hbm>>) dst(%arg7 : memref<112x128xi32, #tpu.memory_space<vmem>>)
      tpu.yield
    }) : () -> ()
    %barrier3A = arith.constant 0 : index
    tpu.barrier barrier_id(%barrier3A)
    %while3A = arith.constant 0 : i32
    %while3A_27 = arith.constant 0 : i32
    %while3A_28 = arith.subi %select_n3A, %while3A_27 : i32
    %while3A_29 = arith.addi %while3A_27, %while3A_28 : i32
    %while3A_30 = arith.constant 1 : i32
    %while3A_31 = arith.divsi %while3A_28, %while3A_30 : i32
    %while3A_32 = arith.muli %while3A_31, %while3A_30 : i32
    %while3A_33 = arith.addi %while3A_27, %while3A_32 : i32
    %while3A_34 = arith.constant 1 : i32
    scf.for %while3A_37 = %while3A_27 to %while3A_33 step %while3A_34  : i32 {
      %dma_start3A = arith.constant 0 : i32
      %dma_start3A_38 = tpu.memref_slice %arg6[%while3A_37, %dma_start3A] : memref<112x128xi32, #tpu.memory_space<vmem>> -> memref<1x128xi32, #tpu.memory_space<vmem>>
      %dma_start3A_39 = tpu.memref_squeeze %dma_start3A_38 : memref<1x128xi32, #tpu.memory_space<vmem>> -> memref<128xi32, #tpu.memory_space<vmem>>
      %dma_start3A_40 = arith.constant 0 : i32
      %dma_start3A_41 = arith.constant 0 : i32
      %dma_start3A_42 = tpu.memref_slice %arg2[%dma_start3A_40, %dma_start3A_41] : memref<10000x128xf32, #tpu.memory_space<hbm>> -> memref<10000x128xf32, #tpu.memory_space<hbm>>
      tpu.enqueue_indirect_dma source(%dma_start3A_42 : memref<10000x128xf32, #tpu.memory_space<hbm>>) target(%arg8 : memref<128x128xf32, #tpu.memory_space<vmem>>) offsets(%dma_start3A_39 : memref<128xi32, #tpu.memory_space<vmem>>) semaphore(%arg10 : memref<!tpu.dma_semaphore, #tpu.memory_space<semaphore_mem>>)
      %dma_wait3A = arith.constant 0 : i32
      %dma_wait3A_43 = tpu.memref_slice %arg6[%while3A_37, %dma_wait3A] : memref<112x128xi32, #tpu.memory_space<vmem>> -> memref<1x128xi32, #tpu.memory_space<vmem>>
      %dma_wait3A_44 = tpu.memref_squeeze %dma_wait3A_43 : memref<1x128xi32, #tpu.memory_space<vmem>> -> memref<128xi32, #tpu.memory_space<vmem>>
      %dma_wait3A_45 = arith.constant 0 : i32
      %dma_wait3A_46 = arith.constant 0 : i32
      %dma_wait3A_47 = tpu.memref_slice %arg2[%dma_wait3A_45, %dma_wait3A_46] : memref<10000x128xf32, #tpu.memory_space<hbm>> -> memref<10000x128xf32, #tpu.memory_space<hbm>>
      tpu.wait_indirect_dma semaphore(%arg10 : memref<!tpu.dma_semaphore, #tpu.memory_space<semaphore_mem>>) src(%dma_wait3A_47 : memref<10000x128xf32, #tpu.memory_space<hbm>>) dst(%arg8 : memref<128x128xf32, #tpu.memory_space<vmem>>)
      "tpu.region"() ({
        %run_scoped3A = tpu.sem_alloc : memref<!tpu.dma_semaphore, #tpu.memory_space<semaphore_mem>>
        %dma_start3A_48 = arith.constant 0 : i32
        %dma_start3A_49 = tpu.memref_slice %arg7[%while3A_37, %dma_start3A_48] : memref<112x128xi32, #tpu.memory_space<vmem>> -> memref<1x128xi32, #tpu.memory_space<vmem>>
        %dma_start3A_50 = tpu.memref_squeeze %dma_start3A_49 : memref<1x128xi32, #tpu.memory_space<vmem>> -> memref<128xi32, #tpu.memory_space<vmem>>
        %dma_start3A_51 = arith.constant 0 : i32
        %dma_start3A_52 = arith.constant 0 : i32
        %dma_start3A_53 = tpu.memref_slice %arg9[%dma_start3A_51, %dma_start3A_52] : memref<10112x128xf32, #tpu.memory_space<vmem_shared>> -> memref<10112x128xf32, #tpu.memory_space<vmem_shared>>
        tpu.enqueue_indirect_dma source(%arg8 : memref<128x128xf32, #tpu.memory_space<vmem>>) target(%dma_start3A_53 : memref<10112x128xf32, #tpu.memory_space<vmem_shared>>) offsets(%dma_start3A_50 : memref<128xi32, #tpu.memory_space<vmem>>) semaphore(%run_scoped3A : memref<!tpu.dma_semaphore, #tpu.memory_space<semaphore_mem>>) {add = true}
        %dma_wait3A_54 = arith.constant 0 : i32
        %dma_wait3A_55 = tpu.memref_slice %arg7[%while3A_37, %dma_wait3A_54] : memref<112x128xi32, #tpu.memory_space<vmem>> -> memref<1x128xi32, #tpu.memory_space<vmem>>
        %dma_wait3A_56 = tpu.memref_squeeze %dma_wait3A_55 : memref<1x128xi32, #tpu.memory_space<vmem>> -> memref<128xi32, #tpu.memory_space<vmem>>
        %dma_wait3A_57 = arith.constant 0 : i32
        %dma_wait3A_58 = arith.constant 0 : i32
        %dma_wait3A_59 = tpu.memref_slice %arg9[%dma_wait3A_57, %dma_wait3A_58] : memref<10112x128xf32, #tpu.memory_space<vmem_shared>> -> memref<10112x128xf32, #tpu.memory_space<vmem_shared>>
        tpu.wait_indirect_dma semaphore(%run_scoped3A : memref<!tpu.dma_semaphore, #tpu.memory_space<semaphore_mem>>) src(%arg8 : memref<128x128xf32, #tpu.memory_space<vmem>>) dst(%dma_wait3A_59 : memref<10112x128xf32, #tpu.memory_space<vmem_shared>>)
        tpu.yield
      }) : () -> ()
    }
    %while3A_35 = arith.constant 1 : i32
    scf.for %while3A_37 = %while3A_33 to %while3A_29 step %while3A_35  : i32 {
      %dma_start3A = arith.constant 0 : i32
      %dma_start3A_38 = tpu.memref_slice %arg6[%while3A_37, %dma_start3A] : memref<112x128xi32, #tpu.memory_space<vmem>> -> memref<1x128xi32, #tpu.memory_space<vmem>>
      %dma_start3A_39 = tpu.memref_squeeze %dma_start3A_38 : memref<1x128xi32, #tpu.memory_space<vmem>> -> memref<128xi32, #tpu.memory_space<vmem>>
      %dma_start3A_40 = arith.constant 0 : i32
      %dma_start3A_41 = arith.constant 0 : i32
      %dma_start3A_42 = tpu.memref_slice %arg2[%dma_start3A_40, %dma_start3A_41] : memref<10000x128xf32, #tpu.memory_space<hbm>> -> memref<10000x128xf32, #tpu.memory_space<hbm>>
      tpu.enqueue_indirect_dma source(%dma_start3A_42 : memref<10000x128xf32, #tpu.memory_space<hbm>>) target(%arg8 : memref<128x128xf32, #tpu.memory_space<vmem>>) offsets(%dma_start3A_39 : memref<128xi32, #tpu.memory_space<vmem>>) semaphore(%arg10 : memref<!tpu.dma_semaphore, #tpu.memory_space<semaphore_mem>>)
      %dma_wait3A = arith.constant 0 : i32
      %dma_wait3A_43 = tpu.memref_slice %arg6[%while3A_37, %dma_wait3A] : memref<112x128xi32, #tpu.memory_space<vmem>> -> memref<1x128xi32, #tpu.memory_space<vmem>>
      %dma_wait3A_44 = tpu.memref_squeeze %dma_wait3A_43 : memref<1x128xi32, #tpu.memory_space<vmem>> -> memref<128xi32, #tpu.memory_space<vmem>>
      %dma_wait3A_45 = arith.constant 0 : i32
      %dma_wait3A_46 = arith.constant 0 : i32
      %dma_wait3A_47 = tpu.memref_slice %arg2[%dma_wait3A_45, %dma_wait3A_46] : memref<10000x128xf32, #tpu.memory_space<hbm>> -> memref<10000x128xf32, #tpu.memory_space<hbm>>
      tpu.wait_indirect_dma semaphore(%arg10 : memref<!tpu.dma_semaphore, #tpu.memory_space<semaphore_mem>>) src(%dma_wait3A_47 : memref<10000x128xf32, #tpu.memory_space<hbm>>) dst(%arg8 : memref<128x128xf32, #tpu.memory_space<vmem>>)
      "tpu.region"() ({
        %run_scoped3A = tpu.sem_alloc : memref<!tpu.dma_semaphore, #tpu.memory_space<semaphore_mem>>
        %dma_start3A_48 = arith.constant 0 : i32
        %dma_start3A_49 = tpu.memref_slice %arg7[%while3A_37, %dma_start3A_48] : memref<112x128xi32, #tpu.memory_space<vmem>> -> memref<1x128xi32, #tpu.memory_space<vmem>>
        %dma_start3A_50 = tpu.memref_squeeze %dma_start3A_49 : memref<1x128xi32, #tpu.memory_space<vmem>> -> memref<128xi32, #tpu.memory_space<vmem>>
        %dma_start3A_51 = arith.constant 0 : i32
        %dma_start3A_52 = arith.constant 0 : i32
        %dma_start3A_53 = tpu.memref_slice %arg9[%dma_start3A_51, %dma_start3A_52] : memref<10112x128xf32, #tpu.memory_space<vmem_shared>> -> memref<10112x128xf32, #tpu.memory_space<vmem_shared>>
        tpu.enqueue_indirect_dma source(%arg8 : memref<128x128xf32, #tpu.memory_space<vmem>>) target(%dma_start3A_53 : memref<10112x128xf32, #tpu.memory_space<vmem_shared>>) offsets(%dma_start3A_50 : memref<128xi32, #tpu.memory_space<vmem>>) semaphore(%run_scoped3A : memref<!tpu.dma_semaphore, #tpu.memory_space<semaphore_mem>>) {add = true}
        %dma_wait3A_54 = arith.constant 0 : i32
        %dma_wait3A_55 = tpu.memref_slice %arg7[%while3A_37, %dma_wait3A_54] : memref<112x128xi32, #tpu.memory_space<vmem>> -> memref<1x128xi32, #tpu.memory_space<vmem>>
        %dma_wait3A_56 = tpu.memref_squeeze %dma_wait3A_55 : memref<1x128xi32, #tpu.memory_space<vmem>> -> memref<128xi32, #tpu.memory_space<vmem>>
        %dma_wait3A_57 = arith.constant 0 : i32
        %dma_wait3A_58 = arith.constant 0 : i32
        %dma_wait3A_59 = tpu.memref_slice %arg9[%dma_wait3A_57, %dma_wait3A_58] : memref<10112x128xf32, #tpu.memory_space<vmem_shared>> -> memref<10112x128xf32, #tpu.memory_space<vmem_shared>>
        tpu.wait_indirect_dma semaphore(%run_scoped3A : memref<!tpu.dma_semaphore, #tpu.memory_space<semaphore_mem>>) src(%arg8 : memref<128x128xf32, #tpu.memory_space<vmem>>) dst(%dma_wait3A_59 : memref<10112x128xf32, #tpu.memory_space<vmem_shared>>)
        tpu.yield
      }) : () -> ()
    }
    %barrier3A_36 = arith.constant 0 : index
    tpu.barrier barrier_id(%barrier3A_36)
    "tpu.region"() ({
      %run_scoped3A = tpu.sem_alloc : memref<!tpu.dma_semaphore, #tpu.memory_space<semaphore_mem>>
      %dma_start3A = arith.constant 0 : i32
      %dma_start3A_37 = tpu.memref_slice %arg5[%arg0, %mul3A_0, %dma_start3A] : memref<2x10112x128xf32, #tpu.memory_space<hbm>> -> memref<1x632x128xf32, #tpu.memory_space<hbm>>
      %dma_start3A_38 = tpu.memref_squeeze %dma_start3A_37 : memref<1x632x128xf32, #tpu.memory_space<hbm>> -> memref<632x128xf32, #tpu.memory_space<hbm>>
      %dma_start3A_39 = arith.constant 0 : i32
      %dma_start3A_40 = tpu.memref_slice %arg9[%mul3A_0, %dma_start3A_39] : memref<10112x128xf32, #tpu.memory_space<vmem_shared>> -> memref<632x128xf32, #tpu.memory_space<vmem_shared>>
      tpu.enqueue_dma source(%dma_start3A_40 : memref<632x128xf32, #tpu.memory_space<vmem_shared>>) target(%dma_start3A_38 : memref<632x128xf32, #tpu.memory_space<hbm>>) target_semaphore(%run_scoped3A : memref<!tpu.dma_semaphore, #tpu.memory_space<semaphore_mem>>)
      %dma_wait3A = arith.constant 0 : i32
      %dma_wait3A_41 = tpu.memref_slice %arg5[%arg0, %mul3A_0, %dma_wait3A] : memref<2x10112x128xf32, #tpu.memory_space<hbm>> -> memref<1x632x128xf32, #tpu.memory_space<hbm>>
      %dma_wait3A_42 = tpu.memref_squeeze %dma_wait3A_41 : memref<1x632x128xf32, #tpu.memory_space<hbm>> -> memref<632x128xf32, #tpu.memory_space<hbm>>
      %dma_wait3A_43 = arith.constant 0 : i32
      %dma_wait3A_44 = tpu.memref_slice %arg9[%mul3A_0, %dma_wait3A_43] : memref<10112x128xf32, #tpu.memory_space<vmem_shared>> -> memref<632x128xf32, #tpu.memory_space<vmem_shared>>
      tpu.wait_dma2 semaphore(%run_scoped3A : memref<!tpu.dma_semaphore, #tpu.memory_space<semaphore_mem>>) src(%dma_wait3A_44 : memref<632x128xf32, #tpu.memory_space<vmem_shared>>) dst(%dma_wait3A_42 : memref<632x128xf32, #tpu.memory_space<hbm>>)
      tpu.yield
    }) : () -> ()
    return
  }
}

#map = affine_map<(d0, d1) -> (0, 0)>
#map1 = affine_map<(d0, d1) -> (0, 0, 0)>
module attributes {stable_mosaic.version = 14 : i64} {
  func.func @body(%arg0: i32, %arg1: i32, %arg2: memref<10000x128xf32, #tpu.memory_space<hbm>>, %arg3: memref<2624x128xi32, #tpu.memory_space<hbm>>, %arg4: memref<2624x128xi32, #tpu.memory_space<hbm>>, %arg5: memref<2x10112x128xf32, #tpu.memory_space<hbm>>, %arg6: memref<2x10112x128xf32, #tpu.memory_space<hbm>>, %arg7: memref<112x128xi32, #tpu.memory_space<vmem>>, %arg8: memref<112x128xi32, #tpu.memory_space<vmem>>, %arg9: memref<128x128xf32, #tpu.memory_space<vmem>>, %arg10: memref<10112x128xf32, #tpu.memory_space<vmem_shared>>, %arg11: memref<!tpu.dma_semaphore, #tpu.memory_space<semaphore_mem>>) attributes {dimension_semantics = [#tpu.dimension_semantics<core_parallel>, #tpu.dimension_semantics<subcore_parallel>], iteration_bounds = array<i64: 2, 16>, scalar_prefetch = 0 : i64, scratch_operands = 5 : i64, tpu.core_type = #tpu.core_type<sc_vector_subcore>, window_params = [{transform_indices = #map}, {transform_indices = #map}, {transform_indices = #map}, {transform_indices = #map1}, {transform_indices = #map1}]} {
    %mul3A = arith.constant 632 : i32
    %mul3A_0 = arith.muli %arg1, %mul3A : i32
    %eq3A = arith.constant 0 : i32
    %eq3A_1 = arith.cmpi eq, %arg0, %eq3A : i32
    %jit3A = arith.constant 112 : i32
    %jit3A_2 = arith.constant 48 : i32
    %select_n3A = arith.select %eq3A_1, %jit3A, %jit3A_2 : i32
    %eq3A_3 = arith.constant 0 : i32
    %eq3A_4 = arith.cmpi eq, %arg0, %eq3A_3 : i32
    %mul3A_5 = arith.constant 112 : i32
    %mul3A_6 = arith.muli %arg1, %mul3A_5 : i32
    %mul3A_7 = arith.constant 48 : i32
    %mul3A_8 = arith.muli %arg1, %mul3A_7 : i32
    %add3A = arith.constant 1792 : i32
    %add3A_9 = arith.addi %add3A, %mul3A_8 : i32
    %select_n3A_10 = arith.select %eq3A_4, %mul3A_6, %add3A_9 : i32
    %multiple_of3A = tpu.assume_multiple %select_n3A_10, 8 : i32
    %broadcast_in_dim3A = arith.constant 0.000000e+00 : f32
    %broadcast_in_dim3A_11 = vector.broadcast %broadcast_in_dim3A : f32 to vector<16xf32>
    %scan3A = arith.constant 0 : i32
    %scan3A_12 = arith.constant 0 : i32
    %scan3A_13 = arith.constant 128 : i32
    %scan3A_14 = arith.addi %scan3A_12, %scan3A_13 : i32
    %scan3A_15 = arith.constant 1 : i32
    scf.for %scan3A_86 = %scan3A_12 to %scan3A_14 step %scan3A_15  : i32 {
      %swap3A = arith.index_cast %scan3A_86 : i32 to index
      %swap3A_87 = arith.constant 0 : index
      %swap3A_88 = tpu.vector_load %arg9[%swap3A, %swap3A_87] {strides = array<i32>} : memref<128x128xf32, #tpu.memory_space<vmem>>, vector<1x16xf32>,
      %swap3A_89 = vector.shape_cast %swap3A_88 : vector<1x16xf32> to vector<16xf32>
      %swap3A_90 = vector.shape_cast %broadcast_in_dim3A_11 : vector<16xf32> to vector<1x16xf32>
      tpu.vector_store %arg9[%swap3A, %swap3A_87], %swap3A_90 {strides = array<i32>} : memref<128x128xf32, #tpu.memory_space<vmem>>, vector<1x16xf32>,
      %swap3A_91 = arith.index_cast %scan3A_86 : i32 to index
      %swap3A_92 = arith.constant 16 : index
      %swap3A_93 = tpu.vector_load %arg9[%swap3A_91, %swap3A_92] {strides = array<i32>} : memref<128x128xf32, #tpu.memory_space<vmem>>, vector<1x16xf32>,
      %swap3A_94 = vector.shape_cast %swap3A_93 : vector<1x16xf32> to vector<16xf32>
      %swap3A_95 = vector.shape_cast %broadcast_in_dim3A_11 : vector<16xf32> to vector<1x16xf32>
      tpu.vector_store %arg9[%swap3A_91, %swap3A_92], %swap3A_95 {strides = array<i32>} : memref<128x128xf32, #tpu.memory_space<vmem>>, vector<1x16xf32>,
      %swap3A_96 = arith.index_cast %scan3A_86 : i32 to index
      %swap3A_97 = arith.constant 32 : index
      %swap3A_98 = tpu.vector_load %arg9[%swap3A_96, %swap3A_97] {strides = array<i32>} : memref<128x128xf32, #tpu.memory_space<vmem>>, vector<1x16xf32>,
      %swap3A_99 = vector.shape_cast %swap3A_98 : vector<1x16xf32> to vector<16xf32>
      %swap3A_100 = vector.shape_cast %broadcast_in_dim3A_11 : vector<16xf32> to vector<1x16xf32>
      tpu.vector_store %arg9[%swap3A_96, %swap3A_97], %swap3A_100 {strides = array<i32>} : memref<128x128xf32, #tpu.memory_space<vmem>>, vector<1x16xf32>,
      %swap3A_101 = arith.index_cast %scan3A_86 : i32 to index
      %swap3A_102 = arith.constant 48 : index
      %swap3A_103 = tpu.vector_load %arg9[%swap3A_101, %swap3A_102] {strides = array<i32>} : memref<128x128xf32, #tpu.memory_space<vmem>>, vector<1x16xf32>,
      %swap3A_104 = vector.shape_cast %swap3A_103 : vector<1x16xf32> to vector<16xf32>
      %swap3A_105 = vector.shape_cast %broadcast_in_dim3A_11 : vector<16xf32> to vector<1x16xf32>
      tpu.vector_store %arg9[%swap3A_101, %swap3A_102], %swap3A_105 {strides = array<i32>} : memref<128x128xf32, #tpu.memory_space<vmem>>, vector<1x16xf32>,
      %swap3A_106 = arith.index_cast %scan3A_86 : i32 to index
      %swap3A_107 = arith.constant 64 : index
      %swap3A_108 = tpu.vector_load %arg9[%swap3A_106, %swap3A_107] {strides = array<i32>} : memref<128x128xf32, #tpu.memory_space<vmem>>, vector<1x16xf32>,
      %swap3A_109 = vector.shape_cast %swap3A_108 : vector<1x16xf32> to vector<16xf32>
      %swap3A_110 = vector.shape_cast %broadcast_in_dim3A_11 : vector<16xf32> to vector<1x16xf32>
      tpu.vector_store %arg9[%swap3A_106, %swap3A_107], %swap3A_110 {strides = array<i32>} : memref<128x128xf32, #tpu.memory_space<vmem>>, vector<1x16xf32>,
      %swap3A_111 = arith.index_cast %scan3A_86 : i32 to index
      %swap3A_112 = arith.constant 80 : index
      %swap3A_113 = tpu.vector_load %arg9[%swap3A_111, %swap3A_112] {strides = array<i32>} : memref<128x128xf32, #tpu.memory_space<vmem>>, vector<1x16xf32>,
      %swap3A_114 = vector.shape_cast %swap3A_113 : vector<1x16xf32> to vector<16xf32>
      %swap3A_115 = vector.shape_cast %broadcast_in_dim3A_11 : vector<16xf32> to vector<1x16xf32>
      tpu.vector_store %arg9[%swap3A_111, %swap3A_112], %swap3A_115 {strides = array<i32>} : memref<128x128xf32, #tpu.memory_space<vmem>>, vector<1x16xf32>,
      %swap3A_116 = arith.index_cast %scan3A_86 : i32 to index
      %swap3A_117 = arith.constant 96 : index
      %swap3A_118 = tpu.vector_load %arg9[%swap3A_116, %swap3A_117] {strides = array<i32>} : memref<128x128xf32, #tpu.memory_space<vmem>>, vector<1x16xf32>,
      %swap3A_119 = vector.shape_cast %swap3A_118 : vector<1x16xf32> to vector<16xf32>
      %swap3A_120 = vector.shape_cast %broadcast_in_dim3A_11 : vector<16xf32> to vector<1x16xf32>
      tpu.vector_store %arg9[%swap3A_116, %swap3A_117], %swap3A_120 {strides = array<i32>} : memref<128x128xf32, #tpu.memory_space<vmem>>, vector<1x16xf32>,
      %swap3A_121 = arith.index_cast %scan3A_86 : i32 to index
      %swap3A_122 = arith.constant 112 : index
      %swap3A_123 = tpu.vector_load %arg9[%swap3A_121, %swap3A_122] {strides = array<i32>} : memref<128x128xf32, #tpu.memory_space<vmem>>, vector<1x16xf32>,
      %swap3A_124 = vector.shape_cast %swap3A_123 : vector<1x16xf32> to vector<16xf32>
      %swap3A_125 = vector.shape_cast %broadcast_in_dim3A_11 : vector<16xf32> to vector<1x16xf32>
      tpu.vector_store %arg9[%swap3A_121, %swap3A_122], %swap3A_125 {strides = array<i32>} : memref<128x128xf32, #tpu.memory_space<vmem>>, vector<1x16xf32>,
    }
    %scan3A_16 = arith.constant 128 : i32
    %add3A_17 = arith.constant 0 : i32
    %add3A_18 = arith.addi %mul3A_0, %add3A_17 : i32
    "tpu.region"() ({
      %run_scoped3A = tpu.sem_alloc : memref<!tpu.dma_semaphore, #tpu.memory_space<semaphore_mem>>
      %dma_start3A = arith.constant 0 : i32
      %dma_start3A_86 = tpu.memref_slice %arg10[%add3A_18, %dma_start3A] : memref<10112x128xf32, #tpu.memory_space<vmem_shared>> -> memref<128x128xf32, #tpu.memory_space<vmem_shared>>
      %dma_start3A_87 = arith.constant 0 : i32
      %dma_start3A_88 = tpu.memref_slice %arg10[%add3A_18, %dma_start3A_87] : memref<10112x128xf32, #tpu.memory_space<vmem_shared>> -> memref<128x128xf32, #tpu.memory_space<vmem_shared>>
      tpu.enqueue_dma source(%arg9 : memref<128x128xf32, #tpu.memory_space<vmem>>) target(%dma_start3A_88 : memref<128x128xf32, #tpu.memory_space<vmem_shared>>) target_semaphore(%run_scoped3A : memref<!tpu.dma_semaphore, #tpu.memory_space<semaphore_mem>>)
      %dma_wait3A = arith.constant 0 : i32
      %dma_wait3A_89 = tpu.memref_slice %arg10[%add3A_18, %dma_wait3A] : memref<10112x128xf32, #tpu.memory_space<vmem_shared>> -> memref<128x128xf32, #tpu.memory_space<vmem_shared>>
      %dma_wait3A_90 = arith.constant 0 : i32
      %dma_wait3A_91 = tpu.memref_slice %arg10[%add3A_18, %dma_wait3A_90] : memref<10112x128xf32, #tpu.memory_space<vmem_shared>> -> memref<128x128xf32, #tpu.memory_space<vmem_shared>>
      tpu.wait_dma2 semaphore(%run_scoped3A : memref<!tpu.dma_semaphore, #tpu.memory_space<semaphore_mem>>) src(%arg9 : memref<128x128xf32, #tpu.memory_space<vmem>>) dst(%dma_wait3A_91 : memref<128x128xf32, #tpu.memory_space<vmem_shared>>)
      tpu.yield
    }) : () -> ()
    %add3A_19 = arith.constant 128 : i32
    %add3A_20 = arith.addi %mul3A_0, %add3A_19 : i32
    "tpu.region"() ({
      %run_scoped3A = tpu.sem_alloc : memref<!tpu.dma_semaphore, #tpu.memory_space<semaphore_mem>>
      %dma_start3A = arith.constant 0 : i32
      %dma_start3A_86 = tpu.memref_slice %arg10[%add3A_20, %dma_start3A] : memref<10112x128xf32, #tpu.memory_space<vmem_shared>> -> memref<128x128xf32, #tpu.memory_space<vmem_shared>>
      %dma_start3A_87 = arith.constant 0 : i32
      %dma_start3A_88 = tpu.memref_slice %arg10[%add3A_20, %dma_start3A_87] : memref<10112x128xf32, #tpu.memory_space<vmem_shared>> -> memref<128x128xf32, #tpu.memory_space<vmem_shared>>
      tpu.enqueue_dma source(%arg9 : memref<128x128xf32, #tpu.memory_space<vmem>>) target(%dma_start3A_88 : memref<128x128xf32, #tpu.memory_space<vmem_shared>>) target_semaphore(%run_scoped3A : memref<!tpu.dma_semaphore, #tpu.memory_space<semaphore_mem>>)
      %dma_wait3A = arith.constant 0 : i32
      %dma_wait3A_89 = tpu.memref_slice %arg10[%add3A_20, %dma_wait3A] : memref<10112x128xf32, #tpu.memory_space<vmem_shared>> -> memref<128x128xf32, #tpu.memory_space<vmem_shared>>
      %dma_wait3A_90 = arith.constant 0 : i32
      %dma_wait3A_91 = tpu.memref_slice %arg10[%add3A_20, %dma_wait3A_90] : memref<10112x128xf32, #tpu.memory_space<vmem_shared>> -> memref<128x128xf32, #tpu.memory_space<vmem_shared>>
      tpu.wait_dma2 semaphore(%run_scoped3A : memref<!tpu.dma_semaphore, #tpu.memory_space<semaphore_mem>>) src(%arg9 : memref<128x128xf32, #tpu.memory_space<vmem>>) dst(%dma_wait3A_91 : memref<128x128xf32, #tpu.memory_space<vmem_shared>>)
      tpu.yield
    }) : () -> ()
    %add3A_21 = arith.constant 256 : i32
    %add3A_22 = arith.addi %mul3A_0, %add3A_21 : i32
    "tpu.region"() ({
      %run_scoped3A = tpu.sem_alloc : memref<!tpu.dma_semaphore, #tpu.memory_space<semaphore_mem>>
      %dma_start3A = arith.constant 0 : i32
      %dma_start3A_86 = tpu.memref_slice %arg10[%add3A_22, %dma_start3A] : memref<10112x128xf32, #tpu.memory_space<vmem_shared>> -> memref<128x128xf32, #tpu.memory_space<vmem_shared>>
      %dma_start3A_87 = arith.constant 0 : i32
      %dma_start3A_88 = tpu.memref_slice %arg10[%add3A_22, %dma_start3A_87] : memref<10112x128xf32, #tpu.memory_space<vmem_shared>> -> memref<128x128xf32, #tpu.memory_space<vmem_shared>>
      tpu.enqueue_dma source(%arg9 : memref<128x128xf32, #tpu.memory_space<vmem>>) target(%dma_start3A_88 : memref<128x128xf32, #tpu.memory_space<vmem_shared>>) target_semaphore(%run_scoped3A : memref<!tpu.dma_semaphore, #tpu.memory_space<semaphore_mem>>)
      %dma_wait3A = arith.constant 0 : i32
      %dma_wait3A_89 = tpu.memref_slice %arg10[%add3A_22, %dma_wait3A] : memref<10112x128xf32, #tpu.memory_space<vmem_shared>> -> memref<128x128xf32, #tpu.memory_space<vmem_shared>>
      %dma_wait3A_90 = arith.constant 0 : i32
      %dma_wait3A_91 = tpu.memref_slice %arg10[%add3A_22, %dma_wait3A_90] : memref<10112x128xf32, #tpu.memory_space<vmem_shared>> -> memref<128x128xf32, #tpu.memory_space<vmem_shared>>
      tpu.wait_dma2 semaphore(%run_scoped3A : memref<!tpu.dma_semaphore, #tpu.memory_space<semaphore_mem>>) src(%arg9 : memref<128x128xf32, #tpu.memory_space<vmem>>) dst(%dma_wait3A_91 : memref<128x128xf32, #tpu.memory_space<vmem_shared>>)
      tpu.yield
    }) : () -> ()
    %add3A_23 = arith.constant 384 : i32
    %add3A_24 = arith.addi %mul3A_0, %add3A_23 : i32
    "tpu.region"() ({
      %run_scoped3A = tpu.sem_alloc : memref<!tpu.dma_semaphore, #tpu.memory_space<semaphore_mem>>
      %dma_start3A = arith.constant 0 : i32
      %dma_start3A_86 = tpu.memref_slice %arg10[%add3A_24, %dma_start3A] : memref<10112x128xf32, #tpu.memory_space<vmem_shared>> -> memref<128x128xf32, #tpu.memory_space<vmem_shared>>
      %dma_start3A_87 = arith.constant 0 : i32
      %dma_start3A_88 = tpu.memref_slice %arg10[%add3A_24, %dma_start3A_87] : memref<10112x128xf32, #tpu.memory_space<vmem_shared>> -> memref<128x128xf32, #tpu.memory_space<vmem_shared>>
      tpu.enqueue_dma source(%arg9 : memref<128x128xf32, #tpu.memory_space<vmem>>) target(%dma_start3A_88 : memref<128x128xf32, #tpu.memory_space<vmem_shared>>) target_semaphore(%run_scoped3A : memref<!tpu.dma_semaphore, #tpu.memory_space<semaphore_mem>>)
      %dma_wait3A = arith.constant 0 : i32
      %dma_wait3A_89 = tpu.memref_slice %arg10[%add3A_24, %dma_wait3A] : memref<10112x128xf32, #tpu.memory_space<vmem_shared>> -> memref<128x128xf32, #tpu.memory_space<vmem_shared>>
      %dma_wait3A_90 = arith.constant 0 : i32
      %dma_wait3A_91 = tpu.memref_slice %arg10[%add3A_24, %dma_wait3A_90] : memref<10112x128xf32, #tpu.memory_space<vmem_shared>> -> memref<128x128xf32, #tpu.memory_space<vmem_shared>>
      tpu.wait_dma2 semaphore(%run_scoped3A : memref<!tpu.dma_semaphore, #tpu.memory_space<semaphore_mem>>) src(%arg9 : memref<128x128xf32, #tpu.memory_space<vmem>>) dst(%dma_wait3A_91 : memref<128x128xf32, #tpu.memory_space<vmem_shared>>)
      tpu.yield
    }) : () -> ()
    %add3A_25 = arith.constant 512 : i32
    %add3A_26 = arith.addi %mul3A_0, %add3A_25 : i32
    "tpu.region"() ({
      %run_scoped3A = tpu.sem_alloc : memref<!tpu.dma_semaphore, #tpu.memory_space<semaphore_mem>>
      %dma_start3A = arith.constant 0 : i32
      %dma_start3A_86 = arith.constant 0 : i32
      %dma_start3A_87 = tpu.memref_slice %arg9[%dma_start3A, %dma_start3A_86] : memref<128x128xf32, #tpu.memory_space<vmem>> -> memref<120x128xf32, #tpu.memory_space<vmem>>
      %dma_start3A_88 = arith.constant 0 : i32
      %dma_start3A_89 = tpu.memref_slice %arg10[%add3A_26, %dma_start3A_88] : memref<10112x128xf32, #tpu.memory_space<vmem_shared>> -> memref<120x128xf32, #tpu.memory_space<vmem_shared>>
      %dma_start3A_90 = arith.constant 0 : i32
      %dma_start3A_91 = tpu.memref_slice %arg10[%add3A_26, %dma_start3A_90] : memref<10112x128xf32, #tpu.memory_space<vmem_shared>> -> memref<120x128xf32, #tpu.memory_space<vmem_shared>>
      %dma_start3A_92 = arith.constant 0 : i32
      %dma_start3A_93 = arith.constant 0 : i32
      %dma_start3A_94 = tpu.memref_slice %arg9[%dma_start3A_92, %dma_start3A_93] : memref<128x128xf32, #tpu.memory_space<vmem>> -> memref<120x128xf32, #tpu.memory_space<vmem>>
      tpu.enqueue_dma source(%dma_start3A_94 : memref<120x128xf32, #tpu.memory_space<vmem>>) target(%dma_start3A_91 : memref<120x128xf32, #tpu.memory_space<vmem_shared>>) target_semaphore(%run_scoped3A : memref<!tpu.dma_semaphore, #tpu.memory_space<semaphore_mem>>)
      %dma_wait3A = arith.constant 0 : i32
      %dma_wait3A_95 = arith.constant 0 : i32
      %dma_wait3A_96 = tpu.memref_slice %arg9[%dma_wait3A, %dma_wait3A_95] : memref<128x128xf32, #tpu.memory_space<vmem>> -> memref<120x128xf32, #tpu.memory_space<vmem>>
      %dma_wait3A_97 = arith.constant 0 : i32
      %dma_wait3A_98 = tpu.memref_slice %arg10[%add3A_26, %dma_wait3A_97] : memref<10112x128xf32, #tpu.memory_space<vmem_shared>> -> memref<120x128xf32, #tpu.memory_space<vmem_shared>>
      %dma_wait3A_99 = arith.constant 0 : i32
      %dma_wait3A_100 = tpu.memref_slice %arg10[%add3A_26, %dma_wait3A_99] : memref<10112x128xf32, #tpu.memory_space<vmem_shared>> -> memref<120x128xf32, #tpu.memory_space<vmem_shared>>
      %dma_wait3A_101 = arith.constant 0 : i32
      %dma_wait3A_102 = arith.constant 0 : i32
      %dma_wait3A_103 = tpu.memref_slice %arg9[%dma_wait3A_101, %dma_wait3A_102] : memref<128x128xf32, #tpu.memory_space<vmem>> -> memref<120x128xf32, #tpu.memory_space<vmem>>
      tpu.wait_dma2 semaphore(%run_scoped3A : memref<!tpu.dma_semaphore, #tpu.memory_space<semaphore_mem>>) src(%dma_wait3A_103 : memref<120x128xf32, #tpu.memory_space<vmem>>) dst(%dma_wait3A_100 : memref<120x128xf32, #tpu.memory_space<vmem_shared>>)
      tpu.yield
    }) : () -> ()
    "tpu.region"() ({
      %run_scoped3A = tpu.sem_alloc : memref<!tpu.dma_semaphore, #tpu.memory_space<semaphore_mem>>
      %dma_start3A = arith.constant 0 : i32
      %dma_start3A_86 = tpu.memref_slice %arg3[%multiple_of3A, %dma_start3A] : memref<2624x128xi32, #tpu.memory_space<hbm>> -> memref<112x128xi32, #tpu.memory_space<hbm>>
      %dma_start3A_87 = arith.constant 0 : i32
      %dma_start3A_88 = tpu.memref_slice %arg3[%multiple_of3A, %dma_start3A_87] : memref<2624x128xi32, #tpu.memory_space<hbm>> -> memref<112x128xi32, #tpu.memory_space<hbm>>
      tpu.enqueue_dma source(%dma_start3A_88 : memref<112x128xi32, #tpu.memory_space<hbm>>) target(%arg7 : memref<112x128xi32, #tpu.memory_space<vmem>>) target_semaphore(%run_scoped3A : memref<!tpu.dma_semaphore, #tpu.memory_space<semaphore_mem>>)
      %dma_wait3A = arith.constant 0 : i32
      %dma_wait3A_89 = tpu.memref_slice %arg3[%multiple_of3A, %dma_wait3A] : memref<2624x128xi32, #tpu.memory_space<hbm>> -> memref<112x128xi32, #tpu.memory_space<hbm>>
      %dma_wait3A_90 = arith.constant 0 : i32
      %dma_wait3A_91 = tpu.memref_slice %arg3[%multiple_of3A, %dma_wait3A_90] : memref<2624x128xi32, #tpu.memory_space<hbm>> -> memref<112x128xi32, #tpu.memory_space<hbm>>
      tpu.wait_dma2 semaphore(%run_scoped3A : memref<!tpu.dma_semaphore, #tpu.memory_space<semaphore_mem>>) src(%dma_wait3A_91 : memref<112x128xi32, #tpu.memory_space<hbm>>) dst(%arg7 : memref<112x128xi32, #tpu.memory_space<vmem>>)
      tpu.yield
    }) : () -> ()
    "tpu.region"() ({
      %run_scoped3A = tpu.sem_alloc : memref<!tpu.dma_semaphore, #tpu.memory_space<semaphore_mem>>
      %dma_start3A = arith.constant 0 : i32
      %dma_start3A_86 = tpu.memref_slice %arg4[%multiple_of3A, %dma_start3A] : memref<2624x128xi32, #tpu.memory_space<hbm>> -> memref<112x128xi32, #tpu.memory_space<hbm>>
      %dma_start3A_87 = arith.constant 0 : i32
      %dma_start3A_88 = tpu.memref_slice %arg4[%multiple_of3A, %dma_start3A_87] : memref<2624x128xi32, #tpu.memory_space<hbm>> -> memref<112x128xi32, #tpu.memory_space<hbm>>
      tpu.enqueue_dma source(%dma_start3A_88 : memref<112x128xi32, #tpu.memory_space<hbm>>) target(%arg8 : memref<112x128xi32, #tpu.memory_space<vmem>>) target_semaphore(%run_scoped3A : memref<!tpu.dma_semaphore, #tpu.memory_space<semaphore_mem>>)
      %dma_wait3A = arith.constant 0 : i32
      %dma_wait3A_89 = tpu.memref_slice %arg4[%multiple_of3A, %dma_wait3A] : memref<2624x128xi32, #tpu.memory_space<hbm>> -> memref<112x128xi32, #tpu.memory_space<hbm>>
      %dma_wait3A_90 = arith.constant 0 : i32
      %dma_wait3A_91 = tpu.memref_slice %arg4[%multiple_of3A, %dma_wait3A_90] : memref<2624x128xi32, #tpu.memory_space<hbm>> -> memref<112x128xi32, #tpu.memory_space<hbm>>
      tpu.wait_dma2 semaphore(%run_scoped3A : memref<!tpu.dma_semaphore, #tpu.memory_space<semaphore_mem>>) src(%dma_wait3A_91 : memref<112x128xi32, #tpu.memory_space<hbm>>) dst(%arg8 : memref<112x128xi32, #tpu.memory_space<vmem>>)
      tpu.yield
    }) : () -> ()
    %barrier3A = arith.constant 0 : index
    tpu.barrier barrier_id(%barrier3A)
    %while3A = arith.constant 0 : i32
    %while3A_27 = arith.constant 0 : i32
    %while3A_28 = arith.subi %select_n3A, %while3A_27 : i32
    %while3A_29 = arith.addi %while3A_27, %while3A_28 : i32
    %while3A_30 = arith.constant 1 : i32
    %while3A_31 = arith.divsi %while3A_28, %while3A_30 : i32
    %while3A_32 = arith.muli %while3A_31, %while3A_30 : i32
    %while3A_33 = arith.addi %while3A_27, %while3A_32 : i32
    %while3A_34 = arith.constant 1 : i32
    scf.for %while3A_86 = %while3A_27 to %while3A_33 step %while3A_34  : i32 {
      %dma_start3A = arith.constant 0 : i32
      %dma_start3A_87 = tpu.memref_slice %arg7[%while3A_86, %dma_start3A] : memref<112x128xi32, #tpu.memory_space<vmem>> -> memref<1x128xi32, #tpu.memory_space<vmem>>
      %dma_start3A_88 = tpu.memref_squeeze %dma_start3A_87 : memref<1x128xi32, #tpu.memory_space<vmem>> -> memref<128xi32, #tpu.memory_space<vmem>>
      %dma_start3A_89 = arith.constant 0 : i32
      %dma_start3A_90 = arith.constant 0 : i32
      %dma_start3A_91 = tpu.memref_slice %arg2[%dma_start3A_89, %dma_start3A_90] : memref<10000x128xf32, #tpu.memory_space<hbm>> -> memref<10000x128xf32, #tpu.memory_space<hbm>>
      tpu.enqueue_indirect_dma source(%dma_start3A_91 : memref<10000x128xf32, #tpu.memory_space<hbm>>) target(%arg9 : memref<128x128xf32, #tpu.memory_space<vmem>>) offsets(%dma_start3A_88 : memref<128xi32, #tpu.memory_space<vmem>>) semaphore(%arg11 : memref<!tpu.dma_semaphore, #tpu.memory_space<semaphore_mem>>)
      %dma_wait3A = arith.constant 0 : i32
      %dma_wait3A_92 = tpu.memref_slice %arg7[%while3A_86, %dma_wait3A] : memref<112x128xi32, #tpu.memory_space<vmem>> -> memref<1x128xi32, #tpu.memory_space<vmem>>
      %dma_wait3A_93 = tpu.memref_squeeze %dma_wait3A_92 : memref<1x128xi32, #tpu.memory_space<vmem>> -> memref<128xi32, #tpu.memory_space<vmem>>
      %dma_wait3A_94 = arith.constant 0 : i32
      %dma_wait3A_95 = arith.constant 0 : i32
      %dma_wait3A_96 = tpu.memref_slice %arg2[%dma_wait3A_94, %dma_wait3A_95] : memref<10000x128xf32, #tpu.memory_space<hbm>> -> memref<10000x128xf32, #tpu.memory_space<hbm>>
      tpu.wait_indirect_dma semaphore(%arg11 : memref<!tpu.dma_semaphore, #tpu.memory_space<semaphore_mem>>) src(%dma_wait3A_96 : memref<10000x128xf32, #tpu.memory_space<hbm>>) dst(%arg9 : memref<128x128xf32, #tpu.memory_space<vmem>>)
      "tpu.region"() ({
        %run_scoped3A = tpu.sem_alloc : memref<!tpu.dma_semaphore, #tpu.memory_space<semaphore_mem>>
        %dma_start3A_97 = arith.constant 0 : i32
        %dma_start3A_98 = tpu.memref_slice %arg8[%while3A_86, %dma_start3A_97] : memref<112x128xi32, #tpu.memory_space<vmem>> -> memref<1x128xi32, #tpu.memory_space<vmem>>
        %dma_start3A_99 = tpu.memref_squeeze %dma_start3A_98 : memref<1x128xi32, #tpu.memory_space<vmem>> -> memref<128xi32, #tpu.memory_space<vmem>>
        %dma_start3A_100 = arith.constant 0 : i32
        %dma_start3A_101 = arith.constant 0 : i32
        %dma_start3A_102 = tpu.memref_slice %arg10[%dma_start3A_100, %dma_start3A_101] : memref<10112x128xf32, #tpu.memory_space<vmem_shared>> -> memref<10112x128xf32, #tpu.memory_space<vmem_shared>>
        tpu.enqueue_indirect_dma source(%arg9 : memref<128x128xf32, #tpu.memory_space<vmem>>) target(%dma_start3A_102 : memref<10112x128xf32, #tpu.memory_space<vmem_shared>>) offsets(%dma_start3A_99 : memref<128xi32, #tpu.memory_space<vmem>>) semaphore(%run_scoped3A : memref<!tpu.dma_semaphore, #tpu.memory_space<semaphore_mem>>) {add = true}
        %dma_wait3A_103 = arith.constant 0 : i32
        %dma_wait3A_104 = tpu.memref_slice %arg8[%while3A_86, %dma_wait3A_103] : memref<112x128xi32, #tpu.memory_space<vmem>> -> memref<1x128xi32, #tpu.memory_space<vmem>>
        %dma_wait3A_105 = tpu.memref_squeeze %dma_wait3A_104 : memref<1x128xi32, #tpu.memory_space<vmem>> -> memref<128xi32, #tpu.memory_space<vmem>>
        %dma_wait3A_106 = arith.constant 0 : i32
        %dma_wait3A_107 = arith.constant 0 : i32
        %dma_wait3A_108 = tpu.memref_slice %arg10[%dma_wait3A_106, %dma_wait3A_107] : memref<10112x128xf32, #tpu.memory_space<vmem_shared>> -> memref<10112x128xf32, #tpu.memory_space<vmem_shared>>
        tpu.wait_indirect_dma semaphore(%run_scoped3A : memref<!tpu.dma_semaphore, #tpu.memory_space<semaphore_mem>>) src(%arg9 : memref<128x128xf32, #tpu.memory_space<vmem>>) dst(%dma_wait3A_108 : memref<10112x128xf32, #tpu.memory_space<vmem_shared>>)
        tpu.yield
      }) : () -> ()
    }
    %while3A_35 = arith.constant 1 : i32
    scf.for %while3A_86 = %while3A_33 to %while3A_29 step %while3A_35  : i32 {
      %dma_start3A = arith.constant 0 : i32
      %dma_start3A_87 = tpu.memref_slice %arg7[%while3A_86, %dma_start3A] : memref<112x128xi32, #tpu.memory_space<vmem>> -> memref<1x128xi32, #tpu.memory_space<vmem>>
      %dma_start3A_88 = tpu.memref_squeeze %dma_start3A_87 : memref<1x128xi32, #tpu.memory_space<vmem>> -> memref<128xi32, #tpu.memory_space<vmem>>
      %dma_start3A_89 = arith.constant 0 : i32
      %dma_start3A_90 = arith.constant 0 : i32
      %dma_start3A_91 = tpu.memref_slice %arg2[%dma_start3A_89, %dma_start3A_90] : memref<10000x128xf32, #tpu.memory_space<hbm>> -> memref<10000x128xf32, #tpu.memory_space<hbm>>
      tpu.enqueue_indirect_dma source(%dma_start3A_91 : memref<10000x128xf32, #tpu.memory_space<hbm>>) target(%arg9 : memref<128x128xf32, #tpu.memory_space<vmem>>) offsets(%dma_start3A_88 : memref<128xi32, #tpu.memory_space<vmem>>) semaphore(%arg11 : memref<!tpu.dma_semaphore, #tpu.memory_space<semaphore_mem>>)
      %dma_wait3A = arith.constant 0 : i32
      %dma_wait3A_92 = tpu.memref_slice %arg7[%while3A_86, %dma_wait3A] : memref<112x128xi32, #tpu.memory_space<vmem>> -> memref<1x128xi32, #tpu.memory_space<vmem>>
      %dma_wait3A_93 = tpu.memref_squeeze %dma_wait3A_92 : memref<1x128xi32, #tpu.memory_space<vmem>> -> memref<128xi32, #tpu.memory_space<vmem>>
      %dma_wait3A_94 = arith.constant 0 : i32
      %dma_wait3A_95 = arith.constant 0 : i32
      %dma_wait3A_96 = tpu.memref_slice %arg2[%dma_wait3A_94, %dma_wait3A_95] : memref<10000x128xf32, #tpu.memory_space<hbm>> -> memref<10000x128xf32, #tpu.memory_space<hbm>>
      tpu.wait_indirect_dma semaphore(%arg11 : memref<!tpu.dma_semaphore, #tpu.memory_space<semaphore_mem>>) src(%dma_wait3A_96 : memref<10000x128xf32, #tpu.memory_space<hbm>>) dst(%arg9 : memref<128x128xf32, #tpu.memory_space<vmem>>)
      "tpu.region"() ({
        %run_scoped3A = tpu.sem_alloc : memref<!tpu.dma_semaphore, #tpu.memory_space<semaphore_mem>>
        %dma_start3A_97 = arith.constant 0 : i32
        %dma_start3A_98 = tpu.memref_slice %arg8[%while3A_86, %dma_start3A_97] : memref<112x128xi32, #tpu.memory_space<vmem>> -> memref<1x128xi32, #tpu.memory_space<vmem>>
        %dma_start3A_99 = tpu.memref_squeeze %dma_start3A_98 : memref<1x128xi32, #tpu.memory_space<vmem>> -> memref<128xi32, #tpu.memory_space<vmem>>
        %dma_start3A_100 = arith.constant 0 : i32
        %dma_start3A_101 = arith.constant 0 : i32
        %dma_start3A_102 = tpu.memref_slice %arg10[%dma_start3A_100, %dma_start3A_101] : memref<10112x128xf32, #tpu.memory_space<vmem_shared>> -> memref<10112x128xf32, #tpu.memory_space<vmem_shared>>
        tpu.enqueue_indirect_dma source(%arg9 : memref<128x128xf32, #tpu.memory_space<vmem>>) target(%dma_start3A_102 : memref<10112x128xf32, #tpu.memory_space<vmem_shared>>) offsets(%dma_start3A_99 : memref<128xi32, #tpu.memory_space<vmem>>) semaphore(%run_scoped3A : memref<!tpu.dma_semaphore, #tpu.memory_space<semaphore_mem>>) {add = true}
        %dma_wait3A_103 = arith.constant 0 : i32
        %dma_wait3A_104 = tpu.memref_slice %arg8[%while3A_86, %dma_wait3A_103] : memref<112x128xi32, #tpu.memory_space<vmem>> -> memref<1x128xi32, #tpu.memory_space<vmem>>
        %dma_wait3A_105 = tpu.memref_squeeze %dma_wait3A_104 : memref<1x128xi32, #tpu.memory_space<vmem>> -> memref<128xi32, #tpu.memory_space<vmem>>
        %dma_wait3A_106 = arith.constant 0 : i32
        %dma_wait3A_107 = arith.constant 0 : i32
        %dma_wait3A_108 = tpu.memref_slice %arg10[%dma_wait3A_106, %dma_wait3A_107] : memref<10112x128xf32, #tpu.memory_space<vmem_shared>> -> memref<10112x128xf32, #tpu.memory_space<vmem_shared>>
        tpu.wait_indirect_dma semaphore(%run_scoped3A : memref<!tpu.dma_semaphore, #tpu.memory_space<semaphore_mem>>) src(%arg9 : memref<128x128xf32, #tpu.memory_space<vmem>>) dst(%dma_wait3A_108 : memref<10112x128xf32, #tpu.memory_space<vmem_shared>>)
        tpu.yield
      }) : () -> ()
    }
    %barrier3A_36 = arith.constant 0 : index
    tpu.barrier barrier_id(%barrier3A_36)
    "tpu.region"() ({
      %run_scoped3A = tpu.sem_alloc : memref<!tpu.dma_semaphore, #tpu.memory_space<semaphore_mem>>
      %dma_start3A = arith.constant 0 : i32
      %dma_start3A_86 = tpu.memref_slice %arg5[%arg0, %mul3A_0, %dma_start3A] : memref<2x10112x128xf32, #tpu.memory_space<hbm>> -> memref<1x632x128xf32, #tpu.memory_space<hbm>>
      %dma_start3A_87 = tpu.memref_squeeze %dma_start3A_86 : memref<1x632x128xf32, #tpu.memory_space<hbm>> -> memref<632x128xf32, #tpu.memory_space<hbm>>
      %dma_start3A_88 = arith.constant 0 : i32
      %dma_start3A_89 = tpu.memref_slice %arg10[%mul3A_0, %dma_start3A_88] : memref<10112x128xf32, #tpu.memory_space<vmem_shared>> -> memref<632x128xf32, #tpu.memory_space<vmem_shared>>
      tpu.enqueue_dma source(%dma_start3A_89 : memref<632x128xf32, #tpu.memory_space<vmem_shared>>) target(%dma_start3A_87 : memref<632x128xf32, #tpu.memory_space<hbm>>) target_semaphore(%run_scoped3A : memref<!tpu.dma_semaphore, #tpu.memory_space<semaphore_mem>>)
      %dma_wait3A = arith.constant 0 : i32
      %dma_wait3A_90 = tpu.memref_slice %arg5[%arg0, %mul3A_0, %dma_wait3A] : memref<2x10112x128xf32, #tpu.memory_space<hbm>> -> memref<1x632x128xf32, #tpu.memory_space<hbm>>
      %dma_wait3A_91 = tpu.memref_squeeze %dma_wait3A_90 : memref<1x632x128xf32, #tpu.memory_space<hbm>> -> memref<632x128xf32, #tpu.memory_space<hbm>>
      %dma_wait3A_92 = arith.constant 0 : i32
      %dma_wait3A_93 = tpu.memref_slice %arg10[%mul3A_0, %dma_wait3A_92] : memref<10112x128xf32, #tpu.memory_space<vmem_shared>> -> memref<632x128xf32, #tpu.memory_space<vmem_shared>>
      tpu.wait_dma2 semaphore(%run_scoped3A : memref<!tpu.dma_semaphore, #tpu.memory_space<semaphore_mem>>) src(%dma_wait3A_93 : memref<632x128xf32, #tpu.memory_space<vmem_shared>>) dst(%dma_wait3A_91 : memref<632x128xf32, #tpu.memory_space<hbm>>)
      tpu.yield
    }) : () -> ()
    %barrier3A_37 = arith.constant 0 : index
    tpu.barrier barrier_id(%barrier3A_37)
    %broadcast_in_dim3A_38 = arith.constant 0.000000e+00 : f32
    %broadcast_in_dim3A_39 = vector.broadcast %broadcast_in_dim3A_38 : f32 to vector<16xf32>
    %scan3A_40 = arith.constant 0 : i32
    %scan3A_41 = arith.constant 0 : i32
    %scan3A_42 = arith.constant 128 : i32
    %scan3A_43 = arith.addi %scan3A_41, %scan3A_42 : i32
    %scan3A_44 = arith.constant 1 : i32
    scf.for %scan3A_86 = %scan3A_41 to %scan3A_43 step %scan3A_44  : i32 {
      %swap3A = arith.index_cast %scan3A_86 : i32 to index
      %swap3A_87 = arith.constant 0 : index
      %swap3A_88 = tpu.vector_load %arg9[%swap3A, %swap3A_87] {strides = array<i32>} : memref<128x128xf32, #tpu.memory_space<vmem>>, vector<1x16xf32>,
      %swap3A_89 = vector.shape_cast %swap3A_88 : vector<1x16xf32> to vector<16xf32>
      %swap3A_90 = vector.shape_cast %broadcast_in_dim3A_39 : vector<16xf32> to vector<1x16xf32>
      tpu.vector_store %arg9[%swap3A, %swap3A_87], %swap3A_90 {strides = array<i32>} : memref<128x128xf32, #tpu.memory_space<vmem>>, vector<1x16xf32>,
      %swap3A_91 = arith.index_cast %scan3A_86 : i32 to index
      %swap3A_92 = arith.constant 16 : index
      %swap3A_93 = tpu.vector_load %arg9[%swap3A_91, %swap3A_92] {strides = array<i32>} : memref<128x128xf32, #tpu.memory_space<vmem>>, vector<1x16xf32>,
      %swap3A_94 = vector.shape_cast %swap3A_93 : vector<1x16xf32> to vector<16xf32>
      %swap3A_95 = vector.shape_cast %broadcast_in_dim3A_39 : vector<16xf32> to vector<1x16xf32>
      tpu.vector_store %arg9[%swap3A_91, %swap3A_92], %swap3A_95 {strides = array<i32>} : memref<128x128xf32, #tpu.memory_space<vmem>>, vector<1x16xf32>,
      %swap3A_96 = arith.index_cast %scan3A_86 : i32 to index
      %swap3A_97 = arith.constant 32 : index
      %swap3A_98 = tpu.vector_load %arg9[%swap3A_96, %swap3A_97] {strides = array<i32>} : memref<128x128xf32, #tpu.memory_space<vmem>>, vector<1x16xf32>,
      %swap3A_99 = vector.shape_cast %swap3A_98 : vector<1x16xf32> to vector<16xf32>
      %swap3A_100 = vector.shape_cast %broadcast_in_dim3A_39 : vector<16xf32> to vector<1x16xf32>
      tpu.vector_store %arg9[%swap3A_96, %swap3A_97], %swap3A_100 {strides = array<i32>} : memref<128x128xf32, #tpu.memory_space<vmem>>, vector<1x16xf32>,
      %swap3A_101 = arith.index_cast %scan3A_86 : i32 to index
      %swap3A_102 = arith.constant 48 : index
      %swap3A_103 = tpu.vector_load %arg9[%swap3A_101, %swap3A_102] {strides = array<i32>} : memref<128x128xf32, #tpu.memory_space<vmem>>, vector<1x16xf32>,
      %swap3A_104 = vector.shape_cast %swap3A_103 : vector<1x16xf32> to vector<16xf32>
      %swap3A_105 = vector.shape_cast %broadcast_in_dim3A_39 : vector<16xf32> to vector<1x16xf32>
      tpu.vector_store %arg9[%swap3A_101, %swap3A_102], %swap3A_105 {strides = array<i32>} : memref<128x128xf32, #tpu.memory_space<vmem>>, vector<1x16xf32>,
      %swap3A_106 = arith.index_cast %scan3A_86 : i32 to index
      %swap3A_107 = arith.constant 64 : index
      %swap3A_108 = tpu.vector_load %arg9[%swap3A_106, %swap3A_107] {strides = array<i32>} : memref<128x128xf32, #tpu.memory_space<vmem>>, vector<1x16xf32>,
      %swap3A_109 = vector.shape_cast %swap3A_108 : vector<1x16xf32> to vector<16xf32>
      %swap3A_110 = vector.shape_cast %broadcast_in_dim3A_39 : vector<16xf32> to vector<1x16xf32>
      tpu.vector_store %arg9[%swap3A_106, %swap3A_107], %swap3A_110 {strides = array<i32>} : memref<128x128xf32, #tpu.memory_space<vmem>>, vector<1x16xf32>,
      %swap3A_111 = arith.index_cast %scan3A_86 : i32 to index
      %swap3A_112 = arith.constant 80 : index
      %swap3A_113 = tpu.vector_load %arg9[%swap3A_111, %swap3A_112] {strides = array<i32>} : memref<128x128xf32, #tpu.memory_space<vmem>>, vector<1x16xf32>,
      %swap3A_114 = vector.shape_cast %swap3A_113 : vector<1x16xf32> to vector<16xf32>
      %swap3A_115 = vector.shape_cast %broadcast_in_dim3A_39 : vector<16xf32> to vector<1x16xf32>
      tpu.vector_store %arg9[%swap3A_111, %swap3A_112], %swap3A_115 {strides = array<i32>} : memref<128x128xf32, #tpu.memory_space<vmem>>, vector<1x16xf32>,
      %swap3A_116 = arith.index_cast %scan3A_86 : i32 to index
      %swap3A_117 = arith.constant 96 : index
      %swap3A_118 = tpu.vector_load %arg9[%swap3A_116, %swap3A_117] {strides = array<i32>} : memref<128x128xf32, #tpu.memory_space<vmem>>, vector<1x16xf32>,
      %swap3A_119 = vector.shape_cast %swap3A_118 : vector<1x16xf32> to vector<16xf32>
      %swap3A_120 = vector.shape_cast %broadcast_in_dim3A_39 : vector<16xf32> to vector<1x16xf32>
      tpu.vector_store %arg9[%swap3A_116, %swap3A_117], %swap3A_120 {strides = array<i32>} : memref<128x128xf32, #tpu.memory_space<vmem>>, vector<1x16xf32>,
      %swap3A_121 = arith.index_cast %scan3A_86 : i32 to index
      %swap3A_122 = arith.constant 112 : index
      %swap3A_123 = tpu.vector_load %arg9[%swap3A_121, %swap3A_122] {strides = array<i32>} : memref<128x128xf32, #tpu.memory_space<vmem>>, vector<1x16xf32>,
      %swap3A_124 = vector.shape_cast %swap3A_123 : vector<1x16xf32> to vector<16xf32>
      %swap3A_125 = vector.shape_cast %broadcast_in_dim3A_39 : vector<16xf32> to vector<1x16xf32>
      tpu.vector_store %arg9[%swap3A_121, %swap3A_122], %swap3A_125 {strides = array<i32>} : memref<128x128xf32, #tpu.memory_space<vmem>>, vector<1x16xf32>,
    }
    %scan3A_45 = arith.constant 128 : i32
    %add3A_46 = arith.constant 0 : i32
    %add3A_47 = arith.addi %mul3A_0, %add3A_46 : i32
    "tpu.region"() ({
      %run_scoped3A = tpu.sem_alloc : memref<!tpu.dma_semaphore, #tpu.memory_space<semaphore_mem>>
      %dma_start3A = arith.constant 0 : i32
      %dma_start3A_86 = tpu.memref_slice %arg10[%add3A_47, %dma_start3A] : memref<10112x128xf32, #tpu.memory_space<vmem_shared>> -> memref<128x128xf32, #tpu.memory_space<vmem_shared>>
      %dma_start3A_87 = arith.constant 0 : i32
      %dma_start3A_88 = tpu.memref_slice %arg10[%add3A_47, %dma_start3A_87] : memref<10112x128xf32, #tpu.memory_space<vmem_shared>> -> memref<128x128xf32, #tpu.memory_space<vmem_shared>>
      tpu.enqueue_dma source(%arg9 : memref<128x128xf32, #tpu.memory_space<vmem>>) target(%dma_start3A_88 : memref<128x128xf32, #tpu.memory_space<vmem_shared>>) target_semaphore(%run_scoped3A : memref<!tpu.dma_semaphore, #tpu.memory_space<semaphore_mem>>)
      %dma_wait3A = arith.constant 0 : i32
      %dma_wait3A_89 = tpu.memref_slice %arg10[%add3A_47, %dma_wait3A] : memref<10112x128xf32, #tpu.memory_space<vmem_shared>> -> memref<128x128xf32, #tpu.memory_space<vmem_shared>>
      %dma_wait3A_90 = arith.constant 0 : i32
      %dma_wait3A_91 = tpu.memref_slice %arg10[%add3A_47, %dma_wait3A_90] : memref<10112x128xf32, #tpu.memory_space<vmem_shared>> -> memref<128x128xf32, #tpu.memory_space<vmem_shared>>
      tpu.wait_dma2 semaphore(%run_scoped3A : memref<!tpu.dma_semaphore, #tpu.memory_space<semaphore_mem>>) src(%arg9 : memref<128x128xf32, #tpu.memory_space<vmem>>) dst(%dma_wait3A_91 : memref<128x128xf32, #tpu.memory_space<vmem_shared>>)
      tpu.yield
    }) : () -> ()
    %add3A_48 = arith.constant 128 : i32
    %add3A_49 = arith.addi %mul3A_0, %add3A_48 : i32
    "tpu.region"() ({
      %run_scoped3A = tpu.sem_alloc : memref<!tpu.dma_semaphore, #tpu.memory_space<semaphore_mem>>
      %dma_start3A = arith.constant 0 : i32
      %dma_start3A_86 = tpu.memref_slice %arg10[%add3A_49, %dma_start3A] : memref<10112x128xf32, #tpu.memory_space<vmem_shared>> -> memref<128x128xf32, #tpu.memory_space<vmem_shared>>
      %dma_start3A_87 = arith.constant 0 : i32
      %dma_start3A_88 = tpu.memref_slice %arg10[%add3A_49, %dma_start3A_87] : memref<10112x128xf32, #tpu.memory_space<vmem_shared>> -> memref<128x128xf32, #tpu.memory_space<vmem_shared>>
      tpu.enqueue_dma source(%arg9 : memref<128x128xf32, #tpu.memory_space<vmem>>) target(%dma_start3A_88 : memref<128x128xf32, #tpu.memory_space<vmem_shared>>) target_semaphore(%run_scoped3A : memref<!tpu.dma_semaphore, #tpu.memory_space<semaphore_mem>>)
      %dma_wait3A = arith.constant 0 : i32
      %dma_wait3A_89 = tpu.memref_slice %arg10[%add3A_49, %dma_wait3A] : memref<10112x128xf32, #tpu.memory_space<vmem_shared>> -> memref<128x128xf32, #tpu.memory_space<vmem_shared>>
      %dma_wait3A_90 = arith.constant 0 : i32
      %dma_wait3A_91 = tpu.memref_slice %arg10[%add3A_49, %dma_wait3A_90] : memref<10112x128xf32, #tpu.memory_space<vmem_shared>> -> memref<128x128xf32, #tpu.memory_space<vmem_shared>>
      tpu.wait_dma2 semaphore(%run_scoped3A : memref<!tpu.dma_semaphore, #tpu.memory_space<semaphore_mem>>) src(%arg9 : memref<128x128xf32, #tpu.memory_space<vmem>>) dst(%dma_wait3A_91 : memref<128x128xf32, #tpu.memory_space<vmem_shared>>)
      tpu.yield
    }) : () -> ()
    %add3A_50 = arith.constant 256 : i32
    %add3A_51 = arith.addi %mul3A_0, %add3A_50 : i32
    "tpu.region"() ({
      %run_scoped3A = tpu.sem_alloc : memref<!tpu.dma_semaphore, #tpu.memory_space<semaphore_mem>>
      %dma_start3A = arith.constant 0 : i32
      %dma_start3A_86 = tpu.memref_slice %arg10[%add3A_51, %dma_start3A] : memref<10112x128xf32, #tpu.memory_space<vmem_shared>> -> memref<128x128xf32, #tpu.memory_space<vmem_shared>>
      %dma_start3A_87 = arith.constant 0 : i32
      %dma_start3A_88 = tpu.memref_slice %arg10[%add3A_51, %dma_start3A_87] : memref<10112x128xf32, #tpu.memory_space<vmem_shared>> -> memref<128x128xf32, #tpu.memory_space<vmem_shared>>
      tpu.enqueue_dma source(%arg9 : memref<128x128xf32, #tpu.memory_space<vmem>>) target(%dma_start3A_88 : memref<128x128xf32, #tpu.memory_space<vmem_shared>>) target_semaphore(%run_scoped3A : memref<!tpu.dma_semaphore, #tpu.memory_space<semaphore_mem>>)
      %dma_wait3A = arith.constant 0 : i32
      %dma_wait3A_89 = tpu.memref_slice %arg10[%add3A_51, %dma_wait3A] : memref<10112x128xf32, #tpu.memory_space<vmem_shared>> -> memref<128x128xf32, #tpu.memory_space<vmem_shared>>
      %dma_wait3A_90 = arith.constant 0 : i32
      %dma_wait3A_91 = tpu.memref_slice %arg10[%add3A_51, %dma_wait3A_90] : memref<10112x128xf32, #tpu.memory_space<vmem_shared>> -> memref<128x128xf32, #tpu.memory_space<vmem_shared>>
      tpu.wait_dma2 semaphore(%run_scoped3A : memref<!tpu.dma_semaphore, #tpu.memory_space<semaphore_mem>>) src(%arg9 : memref<128x128xf32, #tpu.memory_space<vmem>>) dst(%dma_wait3A_91 : memref<128x128xf32, #tpu.memory_space<vmem_shared>>)
      tpu.yield
    }) : () -> ()
    %add3A_52 = arith.constant 384 : i32
    %add3A_53 = arith.addi %mul3A_0, %add3A_52 : i32
    "tpu.region"() ({
      %run_scoped3A = tpu.sem_alloc : memref<!tpu.dma_semaphore, #tpu.memory_space<semaphore_mem>>
      %dma_start3A = arith.constant 0 : i32
      %dma_start3A_86 = tpu.memref_slice %arg10[%add3A_53, %dma_start3A] : memref<10112x128xf32, #tpu.memory_space<vmem_shared>> -> memref<128x128xf32, #tpu.memory_space<vmem_shared>>
      %dma_start3A_87 = arith.constant 0 : i32
      %dma_start3A_88 = tpu.memref_slice %arg10[%add3A_53, %dma_start3A_87] : memref<10112x128xf32, #tpu.memory_space<vmem_shared>> -> memref<128x128xf32, #tpu.memory_space<vmem_shared>>
      tpu.enqueue_dma source(%arg9 : memref<128x128xf32, #tpu.memory_space<vmem>>) target(%dma_start3A_88 : memref<128x128xf32, #tpu.memory_space<vmem_shared>>) target_semaphore(%run_scoped3A : memref<!tpu.dma_semaphore, #tpu.memory_space<semaphore_mem>>)
      %dma_wait3A = arith.constant 0 : i32
      %dma_wait3A_89 = tpu.memref_slice %arg10[%add3A_53, %dma_wait3A] : memref<10112x128xf32, #tpu.memory_space<vmem_shared>> -> memref<128x128xf32, #tpu.memory_space<vmem_shared>>
      %dma_wait3A_90 = arith.constant 0 : i32
      %dma_wait3A_91 = tpu.memref_slice %arg10[%add3A_53, %dma_wait3A_90] : memref<10112x128xf32, #tpu.memory_space<vmem_shared>> -> memref<128x128xf32, #tpu.memory_space<vmem_shared>>
      tpu.wait_dma2 semaphore(%run_scoped3A : memref<!tpu.dma_semaphore, #tpu.memory_space<semaphore_mem>>) src(%arg9 : memref<128x128xf32, #tpu.memory_space<vmem>>) dst(%dma_wait3A_91 : memref<128x128xf32, #tpu.memory_space<vmem_shared>>)
      tpu.yield
    }) : () -> ()
    %add3A_54 = arith.constant 512 : i32
    %add3A_55 = arith.addi %mul3A_0, %add3A_54 : i32
    "tpu.region"() ({
      %run_scoped3A = tpu.sem_alloc : memref<!tpu.dma_semaphore, #tpu.memory_space<semaphore_mem>>
      %dma_start3A = arith.constant 0 : i32
      %dma_start3A_86 = arith.constant 0 : i32
      %dma_start3A_87 = tpu.memref_slice %arg9[%dma_start3A, %dma_start3A_86] : memref<128x128xf32, #tpu.memory_space<vmem>> -> memref<120x128xf32, #tpu.memory_space<vmem>>
      %dma_start3A_88 = arith.constant 0 : i32
      %dma_start3A_89 = tpu.memref_slice %arg10[%add3A_55, %dma_start3A_88] : memref<10112x128xf32, #tpu.memory_space<vmem_shared>> -> memref<120x128xf32, #tpu.memory_space<vmem_shared>>
      %dma_start3A_90 = arith.constant 0 : i32
      %dma_start3A_91 = tpu.memref_slice %arg10[%add3A_55, %dma_start3A_90] : memref<10112x128xf32, #tpu.memory_space<vmem_shared>> -> memref<120x128xf32, #tpu.memory_space<vmem_shared>>
      %dma_start3A_92 = arith.constant 0 : i32
      %dma_start3A_93 = arith.constant 0 : i32
      %dma_start3A_94 = tpu.memref_slice %arg9[%dma_start3A_92, %dma_start3A_93] : memref<128x128xf32, #tpu.memory_space<vmem>> -> memref<120x128xf32, #tpu.memory_space<vmem>>
      tpu.enqueue_dma source(%dma_start3A_94 : memref<120x128xf32, #tpu.memory_space<vmem>>) target(%dma_start3A_91 : memref<120x128xf32, #tpu.memory_space<vmem_shared>>) target_semaphore(%run_scoped3A : memref<!tpu.dma_semaphore, #tpu.memory_space<semaphore_mem>>)
      %dma_wait3A = arith.constant 0 : i32
      %dma_wait3A_95 = arith.constant 0 : i32
      %dma_wait3A_96 = tpu.memref_slice %arg9[%dma_wait3A, %dma_wait3A_95] : memref<128x128xf32, #tpu.memory_space<vmem>> -> memref<120x128xf32, #tpu.memory_space<vmem>>
      %dma_wait3A_97 = arith.constant 0 : i32
      %dma_wait3A_98 = tpu.memref_slice %arg10[%add3A_55, %dma_wait3A_97] : memref<10112x128xf32, #tpu.memory_space<vmem_shared>> -> memref<120x128xf32, #tpu.memory_space<vmem_shared>>
      %dma_wait3A_99 = arith.constant 0 : i32
      %dma_wait3A_100 = tpu.memref_slice %arg10[%add3A_55, %dma_wait3A_99] : memref<10112x128xf32, #tpu.memory_space<vmem_shared>> -> memref<120x128xf32, #tpu.memory_space<vmem_shared>>
      %dma_wait3A_101 = arith.constant 0 : i32
      %dma_wait3A_102 = arith.constant 0 : i32
      %dma_wait3A_103 = tpu.memref_slice %arg9[%dma_wait3A_101, %dma_wait3A_102] : memref<128x128xf32, #tpu.memory_space<vmem>> -> memref<120x128xf32, #tpu.memory_space<vmem>>
      tpu.wait_dma2 semaphore(%run_scoped3A : memref<!tpu.dma_semaphore, #tpu.memory_space<semaphore_mem>>) src(%dma_wait3A_103 : memref<120x128xf32, #tpu.memory_space<vmem>>) dst(%dma_wait3A_100 : memref<120x128xf32, #tpu.memory_space<vmem_shared>>)
      tpu.yield
    }) : () -> ()
    %broadcast_in_dim3A_56 = arith.constant 1.000000e+00 : f32
    %broadcast_in_dim3A_57 = vector.broadcast %broadcast_in_dim3A_56 : f32 to vector<16xf32>
    %scan3A_58 = arith.constant 0 : i32
    %scan3A_59 = arith.constant 0 : i32
    %scan3A_60 = arith.constant 128 : i32
    %scan3A_61 = arith.addi %scan3A_59, %scan3A_60 : i32
    %scan3A_62 = arith.constant 1 : i32
    scf.for %scan3A_86 = %scan3A_59 to %scan3A_61 step %scan3A_62  : i32 {
      %swap3A = arith.index_cast %scan3A_86 : i32 to index
      %swap3A_87 = arith.constant 0 : index
      %swap3A_88 = tpu.vector_load %arg9[%swap3A, %swap3A_87] {strides = array<i32>} : memref<128x128xf32, #tpu.memory_space<vmem>>, vector<1x16xf32>,
      %swap3A_89 = vector.shape_cast %swap3A_88 : vector<1x16xf32> to vector<16xf32>
      %swap3A_90 = vector.shape_cast %broadcast_in_dim3A_57 : vector<16xf32> to vector<1x16xf32>
      tpu.vector_store %arg9[%swap3A, %swap3A_87], %swap3A_90 {strides = array<i32>} : memref<128x128xf32, #tpu.memory_space<vmem>>, vector<1x16xf32>,
      %swap3A_91 = arith.index_cast %scan3A_86 : i32 to index
      %swap3A_92 = arith.constant 16 : index
      %swap3A_93 = tpu.vector_load %arg9[%swap3A_91, %swap3A_92] {strides = array<i32>} : memref<128x128xf32, #tpu.memory_space<vmem>>, vector<1x16xf32>,
      %swap3A_94 = vector.shape_cast %swap3A_93 : vector<1x16xf32> to vector<16xf32>
      %swap3A_95 = vector.shape_cast %broadcast_in_dim3A_57 : vector<16xf32> to vector<1x16xf32>
      tpu.vector_store %arg9[%swap3A_91, %swap3A_92], %swap3A_95 {strides = array<i32>} : memref<128x128xf32, #tpu.memory_space<vmem>>, vector<1x16xf32>,
      %swap3A_96 = arith.index_cast %scan3A_86 : i32 to index
      %swap3A_97 = arith.constant 32 : index
      %swap3A_98 = tpu.vector_load %arg9[%swap3A_96, %swap3A_97] {strides = array<i32>} : memref<128x128xf32, #tpu.memory_space<vmem>>, vector<1x16xf32>,
      %swap3A_99 = vector.shape_cast %swap3A_98 : vector<1x16xf32> to vector<16xf32>
      %swap3A_100 = vector.shape_cast %broadcast_in_dim3A_57 : vector<16xf32> to vector<1x16xf32>
      tpu.vector_store %arg9[%swap3A_96, %swap3A_97], %swap3A_100 {strides = array<i32>} : memref<128x128xf32, #tpu.memory_space<vmem>>, vector<1x16xf32>,
      %swap3A_101 = arith.index_cast %scan3A_86 : i32 to index
      %swap3A_102 = arith.constant 48 : index
      %swap3A_103 = tpu.vector_load %arg9[%swap3A_101, %swap3A_102] {strides = array<i32>} : memref<128x128xf32, #tpu.memory_space<vmem>>, vector<1x16xf32>,
      %swap3A_104 = vector.shape_cast %swap3A_103 : vector<1x16xf32> to vector<16xf32>
      %swap3A_105 = vector.shape_cast %broadcast_in_dim3A_57 : vector<16xf32> to vector<1x16xf32>
      tpu.vector_store %arg9[%swap3A_101, %swap3A_102], %swap3A_105 {strides = array<i32>} : memref<128x128xf32, #tpu.memory_space<vmem>>, vector<1x16xf32>,
      %swap3A_106 = arith.index_cast %scan3A_86 : i32 to index
      %swap3A_107 = arith.constant 64 : index
      %swap3A_108 = tpu.vector_load %arg9[%swap3A_106, %swap3A_107] {strides = array<i32>} : memref<128x128xf32, #tpu.memory_space<vmem>>, vector<1x16xf32>,
      %swap3A_109 = vector.shape_cast %swap3A_108 : vector<1x16xf32> to vector<16xf32>
      %swap3A_110 = vector.shape_cast %broadcast_in_dim3A_57 : vector<16xf32> to vector<1x16xf32>
      tpu.vector_store %arg9[%swap3A_106, %swap3A_107], %swap3A_110 {strides = array<i32>} : memref<128x128xf32, #tpu.memory_space<vmem>>, vector<1x16xf32>,
      %swap3A_111 = arith.index_cast %scan3A_86 : i32 to index
      %swap3A_112 = arith.constant 80 : index
      %swap3A_113 = tpu.vector_load %arg9[%swap3A_111, %swap3A_112] {strides = array<i32>} : memref<128x128xf32, #tpu.memory_space<vmem>>, vector<1x16xf32>,
      %swap3A_114 = vector.shape_cast %swap3A_113 : vector<1x16xf32> to vector<16xf32>
      %swap3A_115 = vector.shape_cast %broadcast_in_dim3A_57 : vector<16xf32> to vector<1x16xf32>
      tpu.vector_store %arg9[%swap3A_111, %swap3A_112], %swap3A_115 {strides = array<i32>} : memref<128x128xf32, #tpu.memory_space<vmem>>, vector<1x16xf32>,
      %swap3A_116 = arith.index_cast %scan3A_86 : i32 to index
      %swap3A_117 = arith.constant 96 : index
      %swap3A_118 = tpu.vector_load %arg9[%swap3A_116, %swap3A_117] {strides = array<i32>} : memref<128x128xf32, #tpu.memory_space<vmem>>, vector<1x16xf32>,
      %swap3A_119 = vector.shape_cast %swap3A_118 : vector<1x16xf32> to vector<16xf32>
      %swap3A_120 = vector.shape_cast %broadcast_in_dim3A_57 : vector<16xf32> to vector<1x16xf32>
      tpu.vector_store %arg9[%swap3A_116, %swap3A_117], %swap3A_120 {strides = array<i32>} : memref<128x128xf32, #tpu.memory_space<vmem>>, vector<1x16xf32>,
      %swap3A_121 = arith.index_cast %scan3A_86 : i32 to index
      %swap3A_122 = arith.constant 112 : index
      %swap3A_123 = tpu.vector_load %arg9[%swap3A_121, %swap3A_122] {strides = array<i32>} : memref<128x128xf32, #tpu.memory_space<vmem>>, vector<1x16xf32>,
      %swap3A_124 = vector.shape_cast %swap3A_123 : vector<1x16xf32> to vector<16xf32>
      %swap3A_125 = vector.shape_cast %broadcast_in_dim3A_57 : vector<16xf32> to vector<1x16xf32>
      tpu.vector_store %arg9[%swap3A_121, %swap3A_122], %swap3A_125 {strides = array<i32>} : memref<128x128xf32, #tpu.memory_space<vmem>>, vector<1x16xf32>,
    }
    %scan3A_63 = arith.constant 128 : i32
    %barrier3A_64 = arith.constant 0 : index
    tpu.barrier barrier_id(%barrier3A_64)
    %while3A_65 = arith.constant 0 : i32
    %while3A_66 = arith.constant 0 : i32
    %while3A_67 = arith.subi %select_n3A, %while3A_66 : i32
    %while3A_68 = arith.addi %while3A_66, %while3A_67 : i32
    %while3A_69 = arith.constant 1 : i32
    %while3A_70 = arith.divsi %while3A_67, %while3A_69 : i32
    %while3A_71 = arith.muli %while3A_70, %while3A_69 : i32
    %while3A_72 = arith.addi %while3A_66, %while3A_71 : i32
    %while3A_73 = arith.constant 1 : i32
    scf.for %while3A_86 = %while3A_66 to %while3A_72 step %while3A_73  : i32 {
      %dma_start3A = arith.constant 0 : i32
      %dma_start3A_87 = tpu.memref_slice %arg8[%while3A_86, %dma_start3A] : memref<112x128xi32, #tpu.memory_space<vmem>> -> memref<1x128xi32, #tpu.memory_space<vmem>>
      %dma_start3A_88 = tpu.memref_squeeze %dma_start3A_87 : memref<1x128xi32, #tpu.memory_space<vmem>> -> memref<128xi32, #tpu.memory_space<vmem>>
      %dma_start3A_89 = arith.constant 0 : i32
      %dma_start3A_90 = arith.constant 0 : i32
      %dma_start3A_91 = tpu.memref_slice %arg10[%dma_start3A_89, %dma_start3A_90] : memref<10112x128xf32, #tpu.memory_space<vmem_shared>> -> memref<10112x128xf32, #tpu.memory_space<vmem_shared>>
      tpu.enqueue_indirect_dma source(%arg9 : memref<128x128xf32, #tpu.memory_space<vmem>>) target(%dma_start3A_91 : memref<10112x128xf32, #tpu.memory_space<vmem_shared>>) offsets(%dma_start3A_88 : memref<128xi32, #tpu.memory_space<vmem>>) semaphore(%arg11 : memref<!tpu.dma_semaphore, #tpu.memory_space<semaphore_mem>>) {add = true}
    }
    %while3A_74 = arith.constant 1 : i32
    scf.for %while3A_86 = %while3A_72 to %while3A_68 step %while3A_74  : i32 {
      %dma_start3A = arith.constant 0 : i32
      %dma_start3A_87 = tpu.memref_slice %arg8[%while3A_86, %dma_start3A] : memref<112x128xi32, #tpu.memory_space<vmem>> -> memref<1x128xi32, #tpu.memory_space<vmem>>
      %dma_start3A_88 = tpu.memref_squeeze %dma_start3A_87 : memref<1x128xi32, #tpu.memory_space<vmem>> -> memref<128xi32, #tpu.memory_space<vmem>>
      %dma_start3A_89 = arith.constant 0 : i32
      %dma_start3A_90 = arith.constant 0 : i32
      %dma_start3A_91 = tpu.memref_slice %arg10[%dma_start3A_89, %dma_start3A_90] : memref<10112x128xf32, #tpu.memory_space<vmem_shared>> -> memref<10112x128xf32, #tpu.memory_space<vmem_shared>>
      tpu.enqueue_indirect_dma source(%arg9 : memref<128x128xf32, #tpu.memory_space<vmem>>) target(%dma_start3A_91 : memref<10112x128xf32, #tpu.memory_space<vmem_shared>>) offsets(%dma_start3A_88 : memref<128xi32, #tpu.memory_space<vmem>>) semaphore(%arg11 : memref<!tpu.dma_semaphore, #tpu.memory_space<semaphore_mem>>) {add = true}
    }
    %while3A_75 = arith.constant 0 : i32
    %while3A_76 = arith.constant 0 : i32
    %while3A_77 = arith.subi %select_n3A, %while3A_76 : i32
    %while3A_78 = arith.addi %while3A_76, %while3A_77 : i32
    %while3A_79 = arith.constant 1 : i32
    %while3A_80 = arith.divsi %while3A_77, %while3A_79 : i32
    %while3A_81 = arith.muli %while3A_80, %while3A_79 : i32
    %while3A_82 = arith.addi %while3A_76, %while3A_81 : i32
    %while3A_83 = arith.constant 1 : i32
    scf.for %while3A_86 = %while3A_76 to %while3A_82 step %while3A_83  : i32 {
      %dma_wait3A = arith.constant 0 : i32
      %dma_wait3A_87 = arith.constant 0 : i32
      %dma_wait3A_88 = tpu.memref_slice %arg8[%dma_wait3A, %dma_wait3A_87] : memref<112x128xi32, #tpu.memory_space<vmem>> -> memref<1x128xi32, #tpu.memory_space<vmem>>
      %dma_wait3A_89 = tpu.memref_squeeze %dma_wait3A_88 : memref<1x128xi32, #tpu.memory_space<vmem>> -> memref<128xi32, #tpu.memory_space<vmem>>
      %dma_wait3A_90 = arith.constant 0 : i32
      %dma_wait3A_91 = arith.constant 0 : i32
      %dma_wait3A_92 = tpu.memref_slice %arg10[%dma_wait3A_90, %dma_wait3A_91] : memref<10112x128xf32, #tpu.memory_space<vmem_shared>> -> memref<10112x128xf32, #tpu.memory_space<vmem_shared>>
      tpu.wait_indirect_dma semaphore(%arg11 : memref<!tpu.dma_semaphore, #tpu.memory_space<semaphore_mem>>) src(%arg9 : memref<128x128xf32, #tpu.memory_space<vmem>>) dst(%dma_wait3A_92 : memref<10112x128xf32, #tpu.memory_space<vmem_shared>>)
    }
    %while3A_84 = arith.constant 1 : i32
    scf.for %while3A_86 = %while3A_82 to %while3A_78 step %while3A_84  : i32 {
      %dma_wait3A = arith.constant 0 : i32
      %dma_wait3A_87 = arith.constant 0 : i32
      %dma_wait3A_88 = tpu.memref_slice %arg8[%dma_wait3A, %dma_wait3A_87] : memref<112x128xi32, #tpu.memory_space<vmem>> -> memref<1x128xi32, #tpu.memory_space<vmem>>
      %dma_wait3A_89 = tpu.memref_squeeze %dma_wait3A_88 : memref<1x128xi32, #tpu.memory_space<vmem>> -> memref<128xi32, #tpu.memory_space<vmem>>
      %dma_wait3A_90 = arith.constant 0 : i32
      %dma_wait3A_91 = arith.constant 0 : i32
      %dma_wait3A_92 = tpu.memref_slice %arg10[%dma_wait3A_90, %dma_wait3A_91] : memref<10112x128xf32, #tpu.memory_space<vmem_shared>> -> memref<10112x128xf32, #tpu.memory_space<vmem_shared>>
      tpu.wait_indirect_dma semaphore(%arg11 : memref<!tpu.dma_semaphore, #tpu.memory_space<semaphore_mem>>) src(%arg9 : memref<128x128xf32, #tpu.memory_space<vmem>>) dst(%dma_wait3A_92 : memref<10112x128xf32, #tpu.memory_space<vmem_shared>>)
    }
    %barrier3A_85 = arith.constant 0 : index
    tpu.barrier barrier_id(%barrier3A_85)
    "tpu.region"() ({
      %run_scoped3A = tpu.sem_alloc : memref<!tpu.dma_semaphore, #tpu.memory_space<semaphore_mem>>
      %dma_start3A = arith.constant 0 : i32
      %dma_start3A_86 = tpu.memref_slice %arg6[%arg0, %mul3A_0, %dma_start3A] : memref<2x10112x128xf32, #tpu.memory_space<hbm>> -> memref<1x632x128xf32, #tpu.memory_space<hbm>>
      %dma_start3A_87 = tpu.memref_squeeze %dma_start3A_86 : memref<1x632x128xf32, #tpu.memory_space<hbm>> -> memref<632x128xf32, #tpu.memory_space<hbm>>
      %dma_start3A_88 = arith.constant 0 : i32
      %dma_start3A_89 = tpu.memref_slice %arg10[%mul3A_0, %dma_start3A_88] : memref<10112x128xf32, #tpu.memory_space<vmem_shared>> -> memref<632x128xf32, #tpu.memory_space<vmem_shared>>
      tpu.enqueue_dma source(%dma_start3A_89 : memref<632x128xf32, #tpu.memory_space<vmem_shared>>) target(%dma_start3A_87 : memref<632x128xf32, #tpu.memory_space<hbm>>) target_semaphore(%run_scoped3A : memref<!tpu.dma_semaphore, #tpu.memory_space<semaphore_mem>>)
      %dma_wait3A = arith.constant 0 : i32
      %dma_wait3A_90 = tpu.memref_slice %arg6[%arg0, %mul3A_0, %dma_wait3A] : memref<2x10112x128xf32, #tpu.memory_space<hbm>> -> memref<1x632x128xf32, #tpu.memory_space<hbm>>
      %dma_wait3A_91 = tpu.memref_squeeze %dma_wait3A_90 : memref<1x632x128xf32, #tpu.memory_space<hbm>> -> memref<632x128xf32, #tpu.memory_space<hbm>>
      %dma_wait3A_92 = arith.constant 0 : i32
      %dma_wait3A_93 = tpu.memref_slice %arg10[%mul3A_0, %dma_wait3A_92] : memref<10112x128xf32, #tpu.memory_space<vmem_shared>> -> memref<632x128xf32, #tpu.memory_space<vmem_shared>>
      tpu.wait_dma2 semaphore(%run_scoped3A : memref<!tpu.dma_semaphore, #tpu.memory_space<semaphore_mem>>) src(%dma_wait3A_93 : memref<632x128xf32, #tpu.memory_space<vmem_shared>>) dst(%dma_wait3A_91 : memref<632x128xf32, #tpu.memory_space<hbm>>)
      tpu.yield
    }) : () -> ()
    return
  }
}

module attributes {stable_mosaic.version = 14 : i64} {
  func.func @_dense2_body(%arg0: memref<2x10112x128xf32, #tpu.memory_space<vmem>>, %arg1: memref<10000x128xf32, #tpu.memory_space<vmem>>, %arg2: memref<10000x1xf32, #tpu.memory_space<vmem>>, %arg3: memref<128x128xf32, #tpu.memory_space<vmem>>, %arg4: memref<1x128xf32, #tpu.memory_space<vmem>>, %arg5: memref<128x128xf32, #tpu.memory_space<vmem>>, %arg6: memref<10000x128xf32, #tpu.memory_space<vmem>>) attributes {dimension_semantics = [], scalar_prefetch = 0 : i64, scratch_operands = 0 : i64, tpu.core_type = #tpu.core_type<tc>} {
    %get3A = arith.constant 0 : index
    %get3A_0 = arith.constant 0 : index
    %get3A_1 = arith.constant 0 : index
    %get3A_2 = vector.load %arg0[%get3A, %get3A_0, %get3A_1] : memref<2x10112x128xf32, #tpu.memory_space<vmem>>, vector<1x10000x128xf32>
    %get3A_3 = vector.shape_cast %get3A_2 : vector<1x10000x128xf32> to vector<10000x128xf32>
    %get3A_4 = arith.constant 1 : index
    %get3A_5 = arith.constant 0 : index
    %get3A_6 = arith.constant 0 : index
    %get3A_7 = vector.load %arg0[%get3A_4, %get3A_5, %get3A_6] : memref<2x10112x128xf32, #tpu.memory_space<vmem>>, vector<1x10000x128xf32>
    %get3A_8 = vector.shape_cast %get3A_7 : vector<1x10000x128xf32> to vector<10000x128xf32>
    %add3A = arith.addf %get3A_3, %get3A_8 : vector<10000x128xf32>
    %get3A_9 = arith.constant 0 : index
    %get3A_10 = arith.constant 0 : index
    %get3A_11 = vector.load %arg2[%get3A_9, %get3A_10] : memref<10000x1xf32, #tpu.memory_space<vmem>>, vector<10000x1xf32>
    %mul3A = vector.broadcast %get3A_11 : vector<10000x1xf32> to vector<10000x128xf32>
    %mul3A_12 = arith.mulf %add3A, %mul3A : vector<10000x128xf32>
    %get3A_13 = arith.constant 0 : index
    %get3A_14 = arith.constant 0 : index
    %get3A_15 = vector.load %arg3[%get3A_13, %get3A_14] : memref<128x128xf32, #tpu.memory_space<vmem>>, vector<128x128xf32>
    %dot_general3A = arith.constant dense<0.000000e+00> : vector<10000x128xf32>
    %dot_general3A_16 = tpu.matmul %mul3A_12, %get3A_15, %dot_general3A {dimension_numbers = #tpu.dot_dimension_numbers<[1], [1], [0], [0], [0, 0, 1, 0], [], []>, transpose_lhs_hint = false} : vector<10000x128xf32>, vector<128x128xf32>, vector<10000x128xf32> -> vector<10000x128xf32>
    %get3A_17 = arith.constant 0 : index
    %get3A_18 = arith.constant 0 : index
    %get3A_19 = vector.load %arg4[%get3A_17, %get3A_18] : memref<1x128xf32, #tpu.memory_space<vmem>>, vector<1x128xf32>
    %add3A_20 = vector.broadcast %get3A_19 : vector<1x128xf32> to vector<10000x128xf32>
    %add3A_21 = arith.addf %dot_general3A_16, %add3A_20 : vector<10000x128xf32>
    %get3A_22 = arith.constant 0 : index
    %get3A_23 = arith.constant 0 : index
    %get3A_24 = vector.load %arg1[%get3A_22, %get3A_23] : memref<10000x128xf32, #tpu.memory_space<vmem>>, vector<10000x128xf32>
    %get3A_25 = arith.constant 0 : index
    %get3A_26 = arith.constant 0 : index
    %get3A_27 = vector.load %arg5[%get3A_25, %get3A_26] : memref<128x128xf32, #tpu.memory_space<vmem>>, vector<128x128xf32>
    %dot_general3A_28 = arith.constant dense<0.000000e+00> : vector<10000x128xf32>
    %dot_general3A_29 = tpu.matmul %get3A_24, %get3A_27, %dot_general3A_28 {dimension_numbers = #tpu.dot_dimension_numbers<[1], [1], [0], [0], [0, 0, 1, 0], [], []>, transpose_lhs_hint = false} : vector<10000x128xf32>, vector<128x128xf32>, vector<10000x128xf32> -> vector<10000x128xf32>
    %add3A_30 = arith.addf %add3A_21, %dot_general3A_29 : vector<10000x128xf32>
    %mul3A_31 = arith.mulf %add3A_30, %add3A_30 : vector<10000x128xf32>
    %reduce_sum3A = arith.constant dense<0.000000e+00> : vector<10000xf32>
    %reduce_sum3A_32 = vector.multi_reduction <add>, %mul3A_31, %reduce_sum3A [1] : vector<10000x128xf32> to vector<10000xf32>
    %broadcast_in_dim3A = vector.shape_cast %reduce_sum3A_32 : vector<10000xf32> to vector<10000x1xf32>
    %sqrt3A = math.sqrt %broadcast_in_dim3A : vector<10000x1xf32>
    %max3A = arith.constant 9.99999996E-13 : f32
    %max3A_33 = vector.broadcast %max3A : f32 to vector<10000x1xf32>
    %max3A_34 = arith.maximumf %sqrt3A, %max3A_33 : vector<10000x1xf32>
    %div3A = vector.broadcast %max3A_34 : vector<10000x1xf32> to vector<10000x128xf32>
    %div3A_35 = arith.divf %add3A_30, %div3A : vector<10000x128xf32>
    %swap3A = arith.constant 0 : index
    %swap3A_36 = arith.constant 0 : index
    %swap3A_37 = vector.load %arg6[%swap3A, %swap3A_36] : memref<10000x128xf32, #tpu.memory_space<vmem>>, vector<10000x128xf32>
    tpu.vector_store %arg6[%swap3A, %swap3A_36], %div3A_35 {strides = array<i32>} : memref<10000x128xf32, #tpu.memory_space<vmem>>, vector<10000x128xf32>,
    return
  }
}

module attributes {stable_mosaic.version = 14 : i64} {
  func.func @_dense1_body(%arg0: memref<2x10112x128xf32, #tpu.memory_space<vmem>>, %arg1: memref<2x10112x128xf32, #tpu.memory_space<vmem>>, %arg2: memref<10000x128xf32, #tpu.memory_space<vmem>>, %arg3: memref<128x128xf32, #tpu.memory_space<vmem>>, %arg4: memref<1x128xf32, #tpu.memory_space<vmem>>, %arg5: memref<128x128xf32, #tpu.memory_space<vmem>>, %arg6: memref<1x128xf32, #tpu.memory_space<vmem>>, %arg7: memref<1x128xf32, #tpu.memory_space<vmem>>, %arg8: memref<10000x128xf32, #tpu.memory_space<vmem>>, %arg9: memref<10000x1xf32, #tpu.memory_space<vmem>>) attributes {dimension_semantics = [], scalar_prefetch = 0 : i64, scratch_operands = 0 : i64, tpu.core_type = #tpu.core_type<tc>} {
    %get3A = arith.constant 0 : index
    %get3A_0 = arith.constant 0 : index
    %get3A_1 = arith.constant 0 : index
    %get3A_2 = vector.load %arg0[%get3A, %get3A_0, %get3A_1] : memref<2x10112x128xf32, #tpu.memory_space<vmem>>, vector<1x10000x128xf32>
    %get3A_3 = vector.shape_cast %get3A_2 : vector<1x10000x128xf32> to vector<10000x128xf32>
    %get3A_4 = arith.constant 1 : index
    %get3A_5 = arith.constant 0 : index
    %get3A_6 = arith.constant 0 : index
    %get3A_7 = vector.load %arg0[%get3A_4, %get3A_5, %get3A_6] : memref<2x10112x128xf32, #tpu.memory_space<vmem>>, vector<1x10000x128xf32>
    %get3A_8 = vector.shape_cast %get3A_7 : vector<1x10000x128xf32> to vector<10000x128xf32>
    %add3A = arith.addf %get3A_3, %get3A_8 : vector<10000x128xf32>
    %get3A_9 = arith.constant 0 : index
    %get3A_10 = arith.constant 0 : index
    %get3A_11 = arith.constant 0 : index
    %get3A_12 = vector.load %arg1[%get3A_9, %get3A_10, %get3A_11] : memref<2x10112x128xf32, #tpu.memory_space<vmem>>, vector<1x10000x1xf32>
    %get3A_13 = vector.shape_cast %get3A_12 : vector<1x10000x1xf32> to vector<10000x1xf32>
    %get3A_14 = arith.constant 1 : index
    %get3A_15 = arith.constant 0 : index
    %get3A_16 = arith.constant 0 : index
    %get3A_17 = vector.load %arg1[%get3A_14, %get3A_15, %get3A_16] : memref<2x10112x128xf32, #tpu.memory_space<vmem>>, vector<1x10000x1xf32>
    %get3A_18 = vector.shape_cast %get3A_17 : vector<1x10000x1xf32> to vector<10000x1xf32>
    %add3A_19 = arith.addf %get3A_13, %get3A_18 : vector<10000x1xf32>
    %max3A = arith.constant 1.000000e+00 : f32
    %max3A_20 = vector.broadcast %max3A : f32 to vector<10000x1xf32>
    %max3A_21 = arith.maximumf %add3A_19, %max3A_20 : vector<10000x1xf32>
    %div3A = arith.constant 1.000000e+00 : f32
    %div3A_22 = vector.broadcast %div3A : f32 to vector<10000x1xf32>
    %div3A_23 = arith.divf %div3A_22, %max3A_21 : vector<10000x1xf32>
    %mul3A = vector.broadcast %div3A_23 : vector<10000x1xf32> to vector<10000x128xf32>
    %mul3A_24 = arith.mulf %add3A, %mul3A : vector<10000x128xf32>
    %get3A_25 = arith.constant 0 : index
    %get3A_26 = arith.constant 0 : index
    %get3A_27 = vector.load %arg3[%get3A_25, %get3A_26] : memref<128x128xf32, #tpu.memory_space<vmem>>, vector<128x128xf32>
    %dot_general3A = arith.constant dense<0.000000e+00> : vector<10000x128xf32>
    %dot_general3A_28 = tpu.matmul %mul3A_24, %get3A_27, %dot_general3A {dimension_numbers = #tpu.dot_dimension_numbers<[1], [1], [0], [0], [0, 0, 1, 0], [], []>, transpose_lhs_hint = false} : vector<10000x128xf32>, vector<128x128xf32>, vector<10000x128xf32> -> vector<10000x128xf32>
    %get3A_29 = arith.constant 0 : index
    %get3A_30 = arith.constant 0 : index
    %get3A_31 = vector.load %arg4[%get3A_29, %get3A_30] : memref<1x128xf32, #tpu.memory_space<vmem>>, vector<1x128xf32>
    %add3A_32 = vector.broadcast %get3A_31 : vector<1x128xf32> to vector<10000x128xf32>
    %add3A_33 = arith.addf %dot_general3A_28, %add3A_32 : vector<10000x128xf32>
    %get3A_34 = arith.constant 0 : index
    %get3A_35 = arith.constant 0 : index
    %get3A_36 = vector.load %arg2[%get3A_34, %get3A_35] : memref<10000x128xf32, #tpu.memory_space<vmem>>, vector<10000x128xf32>
    %get3A_37 = arith.constant 0 : index
    %get3A_38 = arith.constant 0 : index
    %get3A_39 = vector.load %arg5[%get3A_37, %get3A_38] : memref<128x128xf32, #tpu.memory_space<vmem>>, vector<128x128xf32>
    %dot_general3A_40 = arith.constant dense<0.000000e+00> : vector<10000x128xf32>
    %dot_general3A_41 = tpu.matmul %get3A_36, %get3A_39, %dot_general3A_40 {dimension_numbers = #tpu.dot_dimension_numbers<[1], [1], [0], [0], [0, 0, 1, 0], [], []>, transpose_lhs_hint = false} : vector<10000x128xf32>, vector<128x128xf32>, vector<10000x128xf32> -> vector<10000x128xf32>
    %add3A_42 = arith.addf %add3A_33, %dot_general3A_41 : vector<10000x128xf32>
    %mul3A_43 = arith.mulf %add3A_42, %add3A_42 : vector<10000x128xf32>
    %reduce_sum3A = arith.constant dense<0.000000e+00> : vector<10000xf32>
    %reduce_sum3A_44 = vector.multi_reduction <add>, %mul3A_43, %reduce_sum3A [1] : vector<10000x128xf32> to vector<10000xf32>
    %broadcast_in_dim3A = vector.shape_cast %reduce_sum3A_44 : vector<10000xf32> to vector<10000x1xf32>
    %sqrt3A = math.sqrt %broadcast_in_dim3A : vector<10000x1xf32>
    %max3A_45 = arith.constant 9.99999996E-13 : f32
    %max3A_46 = vector.broadcast %max3A_45 : f32 to vector<10000x1xf32>
    %max3A_47 = arith.maximumf %sqrt3A, %max3A_46 : vector<10000x1xf32>
    %div3A_48 = vector.broadcast %max3A_47 : vector<10000x1xf32> to vector<10000x128xf32>
    %div3A_49 = arith.divf %add3A_42, %div3A_48 : vector<10000x128xf32>
    %reduce_sum3A_50 = arith.constant dense<0.000000e+00> : vector<128xf32>
    %reduce_sum3A_51 = vector.multi_reduction <add>, %div3A_49, %reduce_sum3A_50 [0] : vector<10000x128xf32> to vector<128xf32>
    %broadcast_in_dim3A_52 = vector.shape_cast %reduce_sum3A_51 : vector<128xf32> to vector<1x128xf32>
    %div3A_53 = arith.constant 1.000000e+04 : f32
    %div3A_54 = vector.broadcast %div3A_53 : f32 to vector<1x128xf32>
    %div3A_55 = arith.divf %broadcast_in_dim3A_52, %div3A_54 : vector<1x128xf32>
    %sub3A = vector.broadcast %div3A_55 : vector<1x128xf32> to vector<10000x128xf32>
    %sub3A_56 = arith.subf %div3A_49, %sub3A : vector<10000x128xf32>
    %integer_pow3A = arith.mulf %sub3A_56, %sub3A_56 : vector<10000x128xf32>
    %reduce_sum3A_57 = arith.constant dense<0.000000e+00> : vector<128xf32>
    %reduce_sum3A_58 = vector.multi_reduction <add>, %integer_pow3A, %reduce_sum3A_57 [0] : vector<10000x128xf32> to vector<128xf32>
    %broadcast_in_dim3A_59 = vector.shape_cast %reduce_sum3A_58 : vector<128xf32> to vector<1x128xf32>
    %div3A_60 = arith.constant 1.000000e+04 : f32
    %div3A_61 = vector.broadcast %div3A_60 : f32 to vector<1x128xf32>
    %div3A_62 = arith.divf %broadcast_in_dim3A_59, %div3A_61 : vector<1x128xf32>
    %sub3A_63 = vector.broadcast %div3A_55 : vector<1x128xf32> to vector<10000x128xf32>
    %sub3A_64 = arith.subf %div3A_49, %sub3A_63 : vector<10000x128xf32>
    %add3A_65 = arith.constant 9.99999974E-6 : f32
    %add3A_66 = vector.broadcast %add3A_65 : f32 to vector<1x128xf32>
    %add3A_67 = arith.addf %div3A_62, %add3A_66 : vector<1x128xf32>
    %rsqrt3A = math.rsqrt %add3A_67 : vector<1x128xf32>
    %mul3A_68 = vector.broadcast %rsqrt3A : vector<1x128xf32> to vector<10000x128xf32>
    %mul3A_69 = arith.mulf %sub3A_64, %mul3A_68 : vector<10000x128xf32>
    %get3A_70 = arith.constant 0 : index
    %get3A_71 = arith.constant 0 : index
    %get3A_72 = vector.load %arg6[%get3A_70, %get3A_71] : memref<1x128xf32, #tpu.memory_space<vmem>>, vector<1x128xf32>
    %mul3A_73 = vector.broadcast %get3A_72 : vector<1x128xf32> to vector<10000x128xf32>
    %mul3A_74 = arith.mulf %mul3A_69, %mul3A_73 : vector<10000x128xf32>
    %get3A_75 = arith.constant 0 : index
    %get3A_76 = arith.constant 0 : index
    %get3A_77 = vector.load %arg7[%get3A_75, %get3A_76] : memref<1x128xf32, #tpu.memory_space<vmem>>, vector<1x128xf32>
    %add3A_78 = vector.broadcast %get3A_77 : vector<1x128xf32> to vector<10000x128xf32>
    %add3A_79 = arith.addf %mul3A_74, %add3A_78 : vector<10000x128xf32>
    %max3A_80 = arith.constant 0.000000e+00 : f32
    %max3A_81 = vector.broadcast %max3A_80 : f32 to vector<10000x128xf32>
    %max3A_82 = arith.maximumf %add3A_79, %max3A_81 : vector<10000x128xf32>
    %swap3A = arith.constant 0 : index
    %swap3A_83 = arith.constant 0 : index
    %swap3A_84 = vector.load %arg8[%swap3A, %swap3A_83] : memref<10000x128xf32, #tpu.memory_space<vmem>>, vector<10000x128xf32>
    tpu.vector_store %arg8[%swap3A, %swap3A_83], %max3A_82 {strides = array<i32>} : memref<10000x128xf32, #tpu.memory_space<vmem>>, vector<10000x128xf32>,
    %swap3A_85 = arith.constant 0 : index
    %swap3A_86 = arith.constant 0 : index
    %swap3A_87 = vector.load %arg9[%swap3A_85, %swap3A_86] : memref<10000x1xf32, #tpu.memory_space<vmem>>, vector<10000x1xf32>
    tpu.vector_store %arg9[%swap3A_85, %swap3A_86], %div3A_23 {strides = array<i32>} : memref<10000x1xf32, #tpu.memory_space<vmem>>, vector<10000x1xf32>,
    return
  }
}

</mosaic_0001>

<sc_bundles>
// kernel: kernel.6.cloned.1.call-start
scs
__scs_entry_jumppad:
0x0: {  	(pc) =	sbr.rel $0x88, $3  }
0x1: {  	(tag) =	ssettag $0x0;
	lr =	simm.s32 $0x1  }
0x2: {  	[smem:$0x3F97] =	sst lr;
	_ =	strace $0xD0000000  }
0x3: {  	_ = 	snop  }
0x4: {  	_ = 	snop  }
0x5: {  	_ = 	snop  }
0x6: {  	_ = 	snop  }
0x7: {  	_ = 	snop  }
__scs_overlays_trampoline_lowered:
0x8: {  	[smem:$0x3FA6] =	sst s0  }
0x9: {  	[smem:$0x3FA7] =	sst s1  }
0xa: {  	[smem:$0x3FA8] =	sst s2  }
0xb: {  	[smem:$0x3FA9] =	sst s3  }
0xc: {  	[smem:$0x3FAA] =	sst s4  }
0xd: {  	[smem:$0x3FAB] =	sst s5  }
0xe: {  	[smem:$0x3FAC] =	sst s6  }
0xf: {  	[smem:$0x3FAD] =	sst s7  }
0x10: {  	[smem:$0x3FAE] =	sst s8  }
0x11: {  	[smem:$0x3FAF] =	sst s9;
	s0 =	simm.s32 @!p0 $0x0  }
0x12: {  	s1 =	sld [smem:$0x3F95];
	s0 =	simm.s32 @p0 $0x1  }
0x13: {  	[smem:$0x3FB0] =	sst s0;
	s0 =	simm.s32 @!p1 $0x0  }
0x14: {  	s2 =	sld [smem:$0x3F94];
	s0 =	simm.s32 @p1 $0x1  }
0x15: {  	[smem:$0x3FB1] =	sst s0;
	s0 =	simm.s32 @!p2 $0x0  }
0x16: {  	s3 =	sld [smem:$0x3FDB];
	s0 =	simm.s32 @p2 $0x1  }
0x17: {  	s4 =	simm.s32 $0x1BF5;
	[smem:$0x3FB3] =	sst s0  }
0x18: {  	s0 =	sld [smem:$0x3F96];
	_ =	swait.ge [sflag:s4], $0x0  }
0x19: {  	s7 =	sld [smem:$0x3F97]  }
0x1a: {  	s8 =	sadd.s32 $0xFFFFE003, lr  }
0x1b: {  	s9 =	sadd.s32 $0xFFFFFEF7, lr;
	s5 =	simm.s32 $0xFFFFFFFF;
	p2 =	slt.u32 s8, $0xFFFFF086  }
0x1c: {  	p1 =	slt.u32 s9, $0xF7A;
	s5 =	simm.s32 @!p2 $0x0  }
0x1d: {  	s5 =	simm.s32 @p1 $0x1;
	p0 =	seq.s32 s7, s2  }
0x1e: {  	s7 =	smul.u32 @!p0 $0xF7A, s2;
	p2 =	seq.s32 @!p0 s5, $0x0  }
0x1f: {  	s9 =	smul.u32 $0xF7A, s1;
	s8 =	simm.s32 @!p0 $0x1BF5;
	p2 =	por !p2, p0  }
0x20: {  	[sflag:s8] =	ssyncset.s32 @!p0 $0xFFFFF086;
	s6 =	sadd.s32 @!p0 s3, s7;
	s7 =	simm.s32 @!p0 $0x108  }
0x21: {  	s3 =	sadd.s32 s3, s9;
	s6 =	sadd.s32 @!p0 $0x88, s6;
	s7 =	simm.s32 @p2 $0x1082  }
0x22: {  	[simem:s7], [sflag:s8] =	dma.local @!p0 [hbm:s6], $0xF7A  }
0x23: {  	s9 =	sor.u32 $0xD0000000, s2;
	s6 =	simm.s32 $0x108;
	_ =	swait.ge @!p0 [sflag:s8], $0x0  }
0x24: {  	s3 =	sadd.s32 $0x88, s3;
	s6 =	simm.s32 @!p1 $0x1082;
	[sflag:s4] =	ssyncset.s32 $0xFFFFF086  }
0x25: {  	[simem:s6], [sflag:s4] =	dma.local [hbm:s3], $0xF7A  }
0x26: {  	[smem:$0x3F97] =	sst s1;
	(tag) =	ssettag s2;
	_ =	strace s9  }
0x27: {  	s1 =	sld [smem:$0x3FA7]  }
0x28: {  	s2 =	sld [smem:$0x3FA8]  }
0x29: {  	s4 =	sld [smem:$0x3FAA]  }
0x2a: {  	p0 =	seq.s32 s5, $0x0;
	s5 =	sld [smem:$0x3FAB]  }
0x2b: {  	s6 =	sld [smem:$0x3FAC]  }
0x2c: {  	s7 =	sld [smem:$0x3FAD]  }
0x2d: {  	s3 =	simm.s32 $0x108;
	s8 =	sld [smem:$0x3FAE]  }
0x2e: {  	s3 =	simm.s32 @!p0 $0x1082;
	s9 =	sld [smem:$0x3FAF]  }
0x2f: {  	lr =	sadd.s32 s0, s3;
	s0 =	sld [smem:$0x3FA6]  }
0x30: {  	s3 =	sld [smem:$0x3FA9]  }
0x31: {  	[smem:$0x3FB2] =	sst s10  }
0x32: {  	s10 =	sld [smem:$0x3FB0];
	_ =	sdelay $0x3  }
0x33: {  	p0 =	seq.s32 s10, $0x1;
	s10 =	sld [smem:$0x3FB2];
	_ =	sdelay $0x3  }
0x34: {  	[smem:$0x3FB2] =	sst s10  }
0x35: {  	s10 =	sld [smem:$0x3FB1];
	_ =	sdelay $0x3  }
0x36: {  	p1 =	seq.s32 s10, $0x1;
	s10 =	sld [smem:$0x3FB2];
	_ =	sdelay $0x3  }
0x37: {  	[smem:$0x3FB2] =	sst s10  }
0x38: {  	s10 =	sld [smem:$0x3FB3]  }
0x39: {  	_ = 	snop;
	(pc) =	sbr.ind lr, $3  }
0x3a: {  	_ = 	snop  }
0x3b: {  	_ = 	snop  }
0x3c: {  	p2 =	seq.s32 s10, $0x1;
	s10 =	sld [smem:$0x3FB2]  }
0x3d: {  	_ =	shalt  }
0x3e: {  	_ =	shalt  }
0x3f: {  	_ =	shalt  }
0x40: {  	_ =	shalt  }
0x41: {  	_ =	shalt  }
0x42: {  	_ =	shalt  }
0x43: {  	_ =	shalt  }
0x44: {  	_ =	shalt  }
0x45: {  	_ =	shalt  }
0x46: {  	_ =	shalt  }
0x47: {  	_ =	shalt  }
0x48: {  	_ =	shalt  }
0x49: {  	_ =	shalt  }
0x4a: {  	_ =	shalt  }
0x4b: {  	_ =	shalt  }
0x4c: {  	_ =	shalt  }
0x4d: {  	_ =	shalt  }
0x4e: {  	_ =	shalt  }
0x4f: {  	_ =	shalt  }
0x50: {  	_ =	shalt  }
0x51: {  	_ =	shalt  }
0x52: {  	_ =	shalt  }
0x53: {  	_ =	shalt  }
0x54: {  	_ =	shalt  }
0x55: {  	_ =	shalt  }
0x56: {  	_ =	shalt  }
0x57: {  	_ =	shalt  }
0x58: {  	_ =	shalt  }
0x59: {  	_ =	shalt  }
0x5a: {  	_ =	shalt  }
0x5b: {  	_ =	shalt  }
0x5c: {  	_ =	shalt  }
0x5d: {  	_ =	shalt  }
0x5e: {  	_ =	shalt  }
0x5f: {  	_ =	shalt  }
0x60: {  	_ =	shalt  }
0x61: {  	_ =	shalt  }
0x62: {  	_ =	shalt  }
0x63: {  	_ =	shalt  }
0x64: {  	_ =	shalt  }
0x65: {  	_ =	shalt  }
0x66: {  	_ =	shalt  }
0x67: {  	_ =	shalt  }
0x68: {  	_ =	shalt  }
0x69: {  	_ =	shalt  }
0x6a: {  	_ =	shalt  }
0x6b: {  	_ =	shalt  }
0x6c: {  	_ =	shalt  }
0x6d: {  	_ =	shalt  }
0x6e: {  	_ =	shalt  }
0x6f: {  	_ =	shalt  }
0x70: {  	_ =	shalt  }
0x71: {  	_ =	shalt  }
0x72: {  	_ =	shalt  }
0x73: {  	_ =	shalt  }
0x74: {  	_ =	shalt  }
0x75: {  	_ =	shalt  }
0x76: {  	_ =	shalt  }
0x77: {  	_ =	shalt  }
0x78: {  	_ =	shalt  }
0x79: {  	_ =	shalt  }
0x7a: {  	_ =	shalt  }
0x7b: {  	_ =	shalt  }
0x7c: {  	_ =	shalt  }
0x7d: {  	_ =	shalt  }
0x7e: {  	_ =	shalt  }
0x7f: {  	_ =	shalt  }
0x80: {  	_ =	shalt  }
0x81: {  	_ =	shalt  }
0x82: {  	_ =	shalt  }
0x83: {  	_ =	shalt  }
0x84: {  	_ =	shalt  }
0x85: {  	_ =	shalt  }
0x86: {  	_ =	shalt  }
0x87: {  	_ =	shalt  }
.Lfunc_end0:
.L_simem_size_0:
called_computation_lowered:
.L_overlay_start_0:
0x88: {  	s2 =	sld [smem:$0x3FD9]  }
0x89: {  	s3 =	sld [smem:$0x3FFE];
	_ =	sdelay $0x1  }
0x8a: {  	s1 =	srdreg.scid  }
0x8b: {  	s0 =	sand.u32 $0x1, s1  }
0x8c: {  	s17 =	sshll.u32 s0, $0xA;
	s2 =	sadd.s32 s3, s2  }
0x8d: {  	s2 =	sadd.s32 s2, s17  }
0x8e: {  	[smem:$0x3FBE] =	sst s2  }
0x8f: {  	_ = 	snop  }
0x90: {  	s2 =	sld [smem:$0x3FC9];
	(tm) =	ssettm $0x1  }
0x91: {  	s18 =	sld [smem:$0x3FFB];
	_ =	sdelay $0x3  }
0x92: {  	_ =	strace s18  }
0x93: {  	s3 =	sld [smem:$0x3FFC];
	_ =	sdelay $0x3  }
0x94: {  	_ =	strace s3  }
0x95: {  	s3 =	sld [smem:$0x3FFD];
	_ =	sdelay $0x3  }
0x96: {  	_ =	strace s3  }
0x97: {  	_ =	strace $0x8FFFFFFF  }
0x98: {  	s19 =	sld [smem:$0x3FDB];
	_ =	sdelay $0x1  }
0x99: {  	s4 =	simm.s32 $_scs_section_size  }
0x9a: {  	s5 =	simm.s32 $_size__tile_overlayer_lowered;
	s6 =	simm.s32 $_tile_overlayer_lowered  }
0x9b: {  	s22 =	simm.s32 $0x1BFF;
	s21 =	sshll.u32 s6, $0x1;
	s3 =	sadd.s32 s4, s19  }
0x9c: {  	s7 =	simm.s32 $0x0;
	s20 =	sshll.u32 s5, $0x1;
	s5 =	sadd.s32 s21, s3  }
0x9d: {  	[timem:s7], [sflag:s22] =	dma.local [hbm:s5], s20  }
0x9e: {  	_ =	swait.ge [sflag:s22], s20  }
0x9f: {  	s4 =	ssub.s32 $0x0, s20;
	[sflag:s22] =	ssyncset.done $0x0  }
0xa0: {  	[sflag:s22] =	ssyncadd.s32 s4;
	_ =	sdelay $0x1  }
0xa1: {  	s23 =	simm.s32 $0x1B8B  }
0xa2: {  	_ =	swait.ge [sflag:s23], $0x1  }
0xa3: {  	[sflag:s23] =	ssyncset.done $0x0  }
0xa4: {  	s25 =	simm.s32 $0x1B8E;
	s24 =	sld [smem:$0x3FFE];
	[sflag:s23] =	ssyncadd.s32 $0xFFFFFFFF  }
0xa5: {  	s26 =	simm.s32 $execute0_lowered;
	[smem:$0x3FD2] =	sst s25  }
0xa6: {  	s5 =	sshll.u32 s26, $0x1;
	_ =	strace $0x80000046;
	[dreg:$0x1] =	wrdreg $0xFFFFFFFF  }
0xa7: {  	s28 =	simm.s32 $_size_execute0_lowered;
	s3 =	sadd.s32 s3, s5;
	[dreg:$0x0] =	wrdreg $0x0  }
0xa8: {  	s5 =	sshll.u32 s28, $0x1;
	[dreg:$0x2] =	wrdreg s3  }
0xa9: {  	[dreg:$0x3] =	wrdreg s5  }
0xaa: {  	[dreg:$0x4] =	wrdreg $0xC0  }
0xab: {  	_ =	task [dreg:s7], $0x5FFFF  }
0xac: {  	[dreg:$0x1] =	wrdreg $0xFFFFFFFF  }
0xad: {  	[dreg:$0x0] =	wrdreg $0x60  }
0xae: {  	[dreg:$0x2] =	wrdreg s2  }
0xaf: {  	[dreg:$0x3] =	wrdreg s24  }
0xb0: {  	[dreg:$0x4] =	wrdreg $0xB0000  }
0xb1: {  	[dreg:$0x5] =	wrdreg $0x9  }
0xb2: {  	_ =	task.clear_ibuf [dreg:s7], $0x6FFFF;
	_ =	strace $0x90000046  }
0xb3: {  	s29 =	simm.s32 $0x9;
	_ =	strace $0x80000048  }
0xb4: {  	_ =	swait.ge [sflag:s29], $0x1  }
0xb5: {  	[sflag:s29] =	ssyncadd.s32 $0xFFFFFFFF  }
0xb6: {  	_ =	strace $0x90000048  }
0xb7: {  	_ =	sfence  }
0xb8: {  	s30 =	sld [smem:$0x0];
	_ =	sdelay $0x2  }
0xb9: {  	s31 =	sshll.u32 s1, $0xD;
	s1 =	sshrl.u32 s1, $0x2  }
0xba: {  	s3 =	sand.u32 $0x4000, s31;
	s1 =	sadd.s32 s1, s30  }
0xbb: {  	s0 =	sor.u32 s3, s0;
	s1 =	sshll.u32 s1, $0x11  }
0xbc: {  	s0 =	sor.u32 s1, s0  }
0xbd: {  	s0 =	sadd.s32 $0x8F2B, s0  }
0xbe: {  	[sflag:s0] =	ssyncadd.remote.s32 $0x1  }
0xbf: {  	_ =	sfence.sel $0xFFFF  }
0xc0: {  	[dreg:$0x0] =	wrdreg $0xFFFFFFFF;
	(pc) =	sbr.abs _section_cstart, $3  }
0xc1: {  	[dreg:$0x1] =	wrdreg $0xFFFFFFFF  }
0xc2: {  	_ =	task.clear_ibuf [dreg:s7], $0x2FFFF;
	_ =	strace $0x9FFFFFFF  }
0xc3: {  	(tm) =	ssettm $0x7FFFFFFF  }
tec
execute0_lowered:
.L_overlay_start_1:
0x0: {  	(tag) =	ssettag $0x1  }
0x1: {  	s1 =	rddreg [dreg:$0x0]  }
0x2: {  	s5 =	rddreg [dreg:$0x1]  }
0x3: {  	s0 =	stileid.u32;
	s2 =	srdreg.scid  }
0x4: {  	s3 =	rddreg [dreg:$0x2];
	s4 =	simm.s32 $0x0;
	s6 =	smul.u32 $0x70, s0  }
0x5: {  	s16 =	simm.s32 $0x7000;
	s17 =	simm.s32 $0x2;
	s8 =	smul.u32 $0x30, s0  }
0x6: {  	s18 =	simm.s32 $0x80;
	s19 =	simm.s32 $0x1;
	s10 =	smul.u32 $0x13C00, s0  }
0x7: {  	s7 =	sand.u32 $0x1, s2;
	s2 =	rddreg [dreg:$0x3];
	s28 =	smul.u32 $0x4F000, s0  }
0x8: {  	[smem:$0x7FF] =	sst s4;
	s9 =	smul.u32 $0x13C000, s7;
	p0 =	seq.s32 s7, $0x0  }
0x9: {  	_ =	strace $0x80000047;
	s7 =	ssub.s32 $0x2, s7;
	s8 =	sadd.s32 $0x700, s8  }
0xa: {  	s30 =	sshrl.u32 s28, $0x2;
	s31 =	sshrl.u32 s7, $0x1;
	s8 =	smov.u32 @p0 s6  }
0xb: {  	s26 =	sadd.s32 s10, s9;
	s15 =	ssub.s32 s7, s31;
	s6 =	sshll.u32 s8, $0x4  }
0xc: {  	s29 =	sshrl.u32 s26, $0x3;
	s15 =	smax.u32 s15, $0x1;
	s12 =	sadd.s32 s6, s5  }
0xd: {  	s14 =	sadd.s32 s29, s5;
	s5 =	simm.s32 $0x70;
	s6 =	sadd.s32 s30, s3  }
0xe: {  	s5 =	simm.s32 @!p0 $0x30;
	s7 =	sadd.s32 $0x4000, s6;
	s8 =	sadd.s32 $0x8000, s6  }
0xf: {  	s9 =	sadd.s32 $0xC000, s6;
	s10 =	sadd.s32 $0x10000, s6;
	s11 =	sadd.s32 $0xD000, s12  }
0x10: {  	v0 =	vimm.f32 $0.0e+00;
	v1 =	vimm.f32 $1.000000000e+00;
	s12 =	sadd.s32 $0x2C00, s12;
	s13 =	sadd.s32 $0x17400, s14;
	s14 =	sadd.s32 $0x66400, s14  }
.LBB2_1:
0x11: {  	s20 =	simm.s32 $0x0;
	s21 =	simm.s32 $0x200  }
.LBB2_2:
0x12: {  	p0 =	sne.s32 s21, $0xFE00;
	[tilespmem:s20+$0x7070] =	vst v0  }
0x13: {  	[tilespmem:s20+$0x7000] =	vst v0  }
0x14: {  	[tilespmem:s20+$0x7010] =	vst v0  }
.Ltmp0:
0x15: {  	[tilespmem:s20+$0x7020] =	vst v0;
	(pc) =	sbr.rel @p0 .LBB2_2-.Ltmp0, $4  }
0x16: {  	[tilespmem:s20+$0x7030] =	vst v0  }
0x17: {  	[tilespmem:s20+$0x7040] =	vst v0  }
0x18: {  	[tilespmem:s20+$0x7050] =	vst v0  }
0x19: {  	[tilespmem:s20+$0x7060] =	vst v0;
	s20 =	sshra.s32 s21, $0x2;
	s21 =	sadd.s32 $0x200, s21  }
0x1a: {  	[tilespmem:s20+$0x7070] =	vst v0  }
0x1b: {  	[tilespmem:s20+$0x7000] =	vst v0  }
0x1c: {  	[tilespmem:s20+$0x7010] =	vst v0  }
0x1d: {  	[tilespmem:s20+$0x7020] =	vst v0  }
0x1e: {  	[tilespmem:s20+$0x7030] =	vst v0  }
0x1f: {  	[tilespmem:s20+$0x7040] =	vst v0  }
0x20: {  	[tilespmem:s20+$0x7050] =	vst v0  }
0x21: {  	[tilespmem:s20+$0x7060] =	vst v0  }
0x22: {  	[spmem:s6] =	stream.linear.scatter [tilespmem:s16], [sflag:$0x2], $0x4000, $0x38;
	[tilespmem:$0x1EC00] =	vst v63  }
0x23: {  	_ =	swait.ge [sflag:s17], $0x4000  }
0x24: {  	[sflag:s17] =	ssyncset.done $0x0  }
0x25: {  	[sflag:s17] =	ssyncadd.s32 $0xFFFFC000  }
0x26: {  	[spmem:s7] =	stream.linear.scatter [tilespmem:s16], [sflag:$0x2], $0x4000, $0x38;
	[tilespmem:$0x1EC00] =	vst v63  }
0x27: {  	_ =	swait.ge [sflag:s17], $0x4000  }
0x28: {  	[sflag:s17] =	ssyncset.done $0x0  }
0x29: {  	[sflag:s17] =	ssyncadd.s32 $0xFFFFC000  }
0x2a: {  	[spmem:s8] =	stream.linear.scatter [tilespmem:s16], [sflag:$0x2], $0x4000, $0x38;
	[tilespmem:$0x1EC00] =	vst v63  }
0x2b: {  	_ =	swait.ge [sflag:s17], $0x4000  }
0x2c: {  	[sflag:s17] =	ssyncset.done $0x0  }
0x2d: {  	[sflag:s17] =	ssyncadd.s32 $0xFFFFC000  }
0x2e: {  	[spmem:s9] =	stream.linear.scatter [tilespmem:s16], [sflag:$0x2], $0x4000, $0x38;
	[tilespmem:$0x1EC00] =	vst v63  }
0x2f: {  	_ =	swait.ge [sflag:s17], $0x4000  }
0x30: {  	[sflag:s17] =	ssyncset.done $0x0  }
0x31: {  	[sflag:s17] =	ssyncadd.s32 $0xFFFFC000  }
0x32: {  	[spmem:s10] =	stream.linear.scatter [tilespmem:s16], [sflag:$0x2], $0x3C00, $0x38;
	[tilespmem:$0x1EC00] =	vst v63  }
0x33: {  	_ =	swait.ge [sflag:s17], $0x3C00  }
0x34: {  	[sflag:s17] =	ssyncset.done $0x0  }
0x35: {  	s20 =	simm.s32 $0x0;
	[sflag:s17] =	ssyncadd.s32 $0xFFFFC400  }
0x36: {  	[tilespmem:s20], [sflag:$0x2] =	stream.linear.gather [hbm4b:s11+s20], $0x3800, $0x38;
	[tilespmem:$0x1EC00] =	vst v63  }
0x37: {  	_ =	swait.ge [sflag:s17], $0x3800  }
0x38: {  	[sflag:s17] =	ssyncset.done $0x0  }
0x39: {  	s21 =	simm.s32 $0x3800;
	[sflag:s17] =	ssyncadd.s32 $0xFFFFC800  }
0x3a: {  	[tilespmem:s21], [sflag:$0x2] =	stream.linear.gather [hbm4b:s12+s20], $0x3800, $0x38;
	[tilespmem:$0x1EC00] =	vst v63  }
0x3b: {  	_ =	swait.ge [sflag:s17], $0x3800  }
0x3c: {  	[sflag:s17] =	ssyncset.done $0x0  }
0x3d: {  	[sflag:s17] =	ssyncadd.s32 $0xFFFFC800  }
0x3e: {  	[bflag:$0x0] =	sbarrier.arrive $0xFFFF  }
0x3f: {  	[tilespmem:s16], [sflag:$0x1] =	stream.indirect.gather [hbm4b:s1+s18], $0x80, s20, s18, $0xb8;
	[tilespmem:$0x1EC00] =	vst v63  }
0x40: {  	p0 =	sne.s32 s5, $0x1;
	_ =	swait.ge [sflag:s19], $0x4000  }
.Ltmp1:
0x41: {  	[sflag:s19] =	ssyncset.done $0x0;
	(pc) =	sbr.rel @!p0 .LBB2_5-.Ltmp1, $4  }
0x42: {  	[sflag:s19] =	ssyncadd.s32 $0xFFFFC000  }
0x43: {  	[spmem:s3] =	stream.indirect.scatter.add.f32 [tilespmem:s16], [sflag:$0x2], $0x80, s21, s18, $0xb8;
	[tilespmem:$0x1EC00] =	vst v63  }
0x44: {  	_ =	swait.ge [sflag:s17], $0x4000  }
0x45: {  	s22 =	sadd.s32 $0xFFFFFFFF, s5;
	[sflag:s17] =	ssyncset.done $0x0  }
.LBB2_4:
0x46: {  	[sflag:s17] =	ssyncadd.s32 $0xFFFFC000;
	s20 =	sadd.s32 $0x80, s20;
	s21 =	sadd.s32 $0x80, s21  }
0x47: {  	[tilespmem:s16], [sflag:$0x1] =	stream.indirect.gather [hbm4b:s1+s18], $0x80, s20, s18, $0xb8;
	[tilespmem:$0x1EC00] =	vst v63  }
0x48: {  	p1 =	sne.s32 s22, $0x1;
	s22 =	sadd.s32 $0xFFFFFFFF, s22;
	_ =	swait.ge [sflag:s19], $0x4000  }
.Ltmp2:
0x49: {  	[sflag:s19] =	ssyncset.done $0x0;
	(pc) =	sbr.rel @p1 .LBB2_4-.Ltmp2, $4  }
0x4a: {  	[sflag:s19] =	ssyncadd.s32 $0xFFFFC000  }
0x4b: {  	[spmem:s3] =	stream.indirect.scatter.add.f32 [tilespmem:s16], [sflag:$0x2], $0x80, s21, s18, $0xb8;
	[tilespmem:$0x1EC00] =	vst v63  }
0x4c: {  	_ =	swait.ge [sflag:s17], $0x4000  }
0x4d: {  	[sflag:s17] =	ssyncset.done $0x0  }
.LBB2_5:
0x4e: {  	[sflag:s17] =	ssyncadd.s32 $0xFFFFC000;
	s20 =	sshll.u32 s0, $0x6  }
0x4f: {  	s21 =	sshrl.u32 s6, $0x3;
	[bflag:$0x0] =	sbarrier.arrive $0xFFFF;
	s20 =	sor.u32 $0x1C02, s20  }
0x50: {  	[hbm:s13], [sflag:s20] =	dma.local [spmem:s21], $0x2780  }
0x51: {  	_ =	swait.ge [sflag:s17], $0x2780  }
0x52: {  	[sflag:s17] =	ssyncset.done $0x0  }
0x53: {  	[sflag:s17] =	ssyncadd.s32 $0xFFFFD880  }
0x54: {  	s22 =	simm.s32 $0x0;
	s23 =	simm.s32 $0x200;
	[bflag:$0x0] =	sbarrier.arrive $0xFFFF  }
.LBB2_6:
0x55: {  	p1 =	sne.s32 s23, $0xFE00;
	[tilespmem:s22+$0x7070] =	vst v0  }
0x56: {  	[tilespmem:s22+$0x7000] =	vst v0  }
0x57: {  	[tilespmem:s22+$0x7010] =	vst v0  }
.Ltmp3:
0x58: {  	[tilespmem:s22+$0x7020] =	vst v0;
	(pc) =	sbr.rel @p1 .LBB2_6-.Ltmp3, $4  }
0x59: {  	[tilespmem:s22+$0x7030] =	vst v0  }
0x5a: {  	[tilespmem:s22+$0x7040] =	vst v0  }
0x5b: {  	[tilespmem:s22+$0x7050] =	vst v0  }
0x5c: {  	[tilespmem:s22+$0x7060] =	vst v0;
	s22 =	sshra.s32 s23, $0x2;
	s23 =	sadd.s32 $0x200, s23  }
0x5d: {  	[tilespmem:s22+$0x7070] =	vst v0  }
0x5e: {  	[tilespmem:s22+$0x7000] =	vst v0  }
0x5f: {  	[tilespmem:s22+$0x7010] =	vst v0  }
0x60: {  	[tilespmem:s22+$0x7020] =	vst v0  }
0x61: {  	[tilespmem:s22+$0x7030] =	vst v0  }
0x62: {  	[tilespmem:s22+$0x7040] =	vst v0  }
0x63: {  	[tilespmem:s22+$0x7050] =	vst v0  }
0x64: {  	[tilespmem:s22+$0x7060] =	vst v0  }
0x65: {  	[spmem:s6] =	stream.linear.scatter [tilespmem:s16], [sflag:$0x2], $0x4000, $0x38;
	[tilespmem:$0x1EC00] =	vst v63  }
0x66: {  	_ =	swait.ge [sflag:s17], $0x4000  }
0x67: {  	[sflag:s17] =	ssyncset.done $0x0  }
0x68: {  	[sflag:s17] =	ssyncadd.s32 $0xFFFFC000  }
0x69: {  	[spmem:s7] =	stream.linear.scatter [tilespmem:s16], [sflag:$0x2], $0x4000, $0x38;
	[tilespmem:$0x1EC00] =	vst v63  }
0x6a: {  	_ =	swait.ge [sflag:s17], $0x4000  }
0x6b: {  	[sflag:s17] =	ssyncset.done $0x0  }
0x6c: {  	[sflag:s17] =	ssyncadd.s32 $0xFFFFC000  }
0x6d: {  	[spmem:s8] =	stream.linear.scatter [tilespmem:s16], [sflag:$0x2], $0x4000, $0x38;
	[tilespmem:$0x1EC00] =	vst v63  }
0x6e: {  	_ =	swait.ge [sflag:s17], $0x4000  }
0x6f: {  	[sflag:s17] =	ssyncset.done $0x0  }
0x70: {  	[sflag:s17] =	ssyncadd.s32 $0xFFFFC000  }
0x71: {  	[spmem:s9] =	stream.linear.scatter [tilespmem:s16], [sflag:$0x2], $0x4000, $0x38;
	[tilespmem:$0x1EC00] =	vst v63  }
0x72: {  	_ =	swait.ge [sflag:s17], $0x4000  }
0x73: {  	[sflag:s17] =	ssyncset.done $0x0  }
0x74: {  	[sflag:s17] =	ssyncadd.s32 $0xFFFFC000  }
0x75: {  	[spmem:s10] =	stream.linear.scatter [tilespmem:s16], [sflag:$0x2], $0x3C00, $0x38;
	[tilespmem:$0x1EC00] =	vst v63  }
0x76: {  	_ =	swait.ge [sflag:s17], $0x3C00  }
0x77: {  	[sflag:s17] =	ssyncset.done $0x0  }
0x78: {  	s22 =	simm.s32 $0x0;
	s23 =	simm.s32 $0x200;
	[sflag:s17] =	ssyncadd.s32 $0xFFFFC400  }
.LBB2_8:
0x79: {  	p1 =	sne.s32 s23, $0xFE00;
	[tilespmem:s22+$0x7070] =	vst v1  }
0x7a: {  	[tilespmem:s22+$0x7000] =	vst v1  }
0x7b: {  	[tilespmem:s22+$0x7010] =	vst v1  }
.Ltmp4:
0x7c: {  	[tilespmem:s22+$0x7020] =	vst v1;
	(pc) =	sbr.rel @p1 .LBB2_8-.Ltmp4, $4  }
0x7d: {  	[tilespmem:s22+$0x7030] =	vst v1  }
0x7e: {  	[tilespmem:s22+$0x7040] =	vst v1  }
0x7f: {  	[tilespmem:s22+$0x7050] =	vst v1  }
0x80: {  	[tilespmem:s22+$0x7060] =	vst v1;
	s22 =	sshra.s32 s23, $0x2;
	s23 =	sadd.s32 $0x200, s23  }
0x81: {  	[tilespmem:s22+$0x7070] =	vst v1  }
0x82: {  	[tilespmem:s22+$0x7000] =	vst v1  }
0x83: {  	[tilespmem:s22+$0x7010] =	vst v1  }
0x84: {  	[tilespmem:s22+$0x7020] =	vst v1  }
0x85: {  	[tilespmem:s22+$0x7030] =	vst v1  }
.Ltmp5:
0x86: {  	[tilespmem:s22+$0x7040] =	vst v1;
	(pc) =	sbr.rel @!p0 .LBB2_11-.Ltmp5, $4  }
0x87: {  	[tilespmem:s22+$0x7050] =	vst v1  }
0x88: {  	[tilespmem:s22+$0x7060] =	vst v1  }
0x89: {  	s22 =	simm.s32 $0x3800;
	s23 =	sadd.s32 $0xFFFFFFFF, s5;
	[bflag:$0x0] =	sbarrier.arrive $0xFFFF  }
0x8a: {  	[spmem:s3] =	stream.indirect.scatter.add.f32 [tilespmem:s16], [sflag:$0x1], $0x80, s22, s18, $0xb8;
	[tilespmem:$0x1EC00] =	vst v63  }
.LBB2_10:
0x8b: {  	p1 =	sne.s32 s23, $0x1  }
.Ltmp6:
0x8c: {  	_ = 	snop;
	(pc) =	sbr.rel @p1 .LBB2_10-.Ltmp6, $3  }
0x8d: {  	_ = 	snop  }
0x8e: {  	s23 =	sadd.s32 $0xFFFFFFFF, s23;
	s22 =	sadd.s32 $0x80, s22;
	_ =	sdelay $0x1  }
0x8f: {  	[spmem:s3] =	stream.indirect.scatter.add.f32 [tilespmem:s16], [sflag:$0x1], $0x80, s22, s18, $0xb8;
	[tilespmem:$0x1EC00] =	vst v63  }
.LBB2_11:
.Ltmp7:
0x90: {  	(pc) =	sbr.rel @!p0 .LBB2_13-.Ltmp7, $3  }
0x91: {  	_ =	sdelay $0x1  }
0x92: {  	_ =	swait.ge [sflag:s19], $0x4000  }
0x93: {  	s22 =	sadd.s32 $0xFFFFFFFF, s5;
	[sflag:s19] =	ssyncset.done $0x0  }
.LBB2_12:
0x94: {  	p0 =	sne.s32 s22, $0x1;
	s22 =	sadd.s32 $0xFFFFFFFF, s22;
	[sflag:s19] =	ssyncadd.s32 $0xFFFFC000  }
.Ltmp8:
0x95: {  	(pc) =	sbr.rel @p0 .LBB2_12-.Ltmp8, $3  }
0x96: {  	_ =	sdelay $0x1  }
0x97: {  	_ =	swait.ge [sflag:s19], $0x4000  }
0x98: {  	[sflag:s19] =	ssyncset.done $0x0  }
.LBB2_13:
0x99: {  	s4 =	sadd.s32 $0x1, s4  }
0x9a: {  	[sflag:s19] =	ssyncadd.s32 $0xFFFFC000;
	p0 =	sne.s32 s4, s15  }
.Ltmp9:
0x9b: {  	[bflag:$0x0] =	sbarrier.arrive $0xFFFF;
	(pc) =	sbr.rel @p0 .LBB2_1-.Ltmp9, $4  }
0x9c: {  	[hbm:s14], [sflag:s20] =	dma.local [spmem:s21], $0x2780  }
0x9d: {  	_ =	swait.ge [sflag:s17], $0x2780  }
0x9e: {  	[sflag:s17] =	ssyncset.done $0x0  }
0x9f: {  	[sflag:s17] =	ssyncadd.s32 $0xFFFFD880  }
0xa0: {  	_ =	sfence.sel $0x180000  }
0xa1: {  	[bflag:$0x0] =	sbarrier.arrive $0xFFFF  }
0xa2: {  	p0 =	sne.s32 s0, $0x0;
	_ =	strace $0x90000047  }
0xa3: {  	s0 =	sadd.s32 @!p0 $0x100000, s2;
	[bflag:$0x2] =	sbarrier.arrive $0xFFFF  }
0xa4: {  	[sflag:s0] =	ssyncadd.tile.s32 @!p0 $0x1;
	_ =	shalt  }
.Lfunc_end2:
_tile_overlayer_lowered:
.L_overlay_start_2:
0xa5: {  	(tag) =	ssettag $0x2  }
0xa6: {  	s0 =	rddreg [dreg:$0x0];
	s2 =	stileid.u32  }
0xa7: {  	s1 =	rddreg [dreg:$0x1];
	p0 =	sne.s32 s2, $0x0  }
0xa8: {  	s3 =	rddreg [dreg:$0x2];
	[bflag:$0x3] =	sbarrier.arrive $0xFFFF;
	s2 =	simm.s32 @!p0 $0x1C02  }
0xa9: {  	[timem:s3], [sflag:s2] =	dma.local @!p0 [hbm:s0], s1  }
0xaa: {  	s0 =	simm.s32 @!p0 $0x2  }
0xab: {  	_ =	swait.ge @!p0 [sflag:s0], s1  }
0xac: {  	s1 =	ssub.s32 @!p0 $0x0, s1;
	[sflag:s0] =	ssyncset.done @!p0 $0x0  }
0xad: {  	[sflag:s0] =	ssyncadd.s32 @!p0 s1  }
0xae: {  	[bflag:$0x3] =	sbarrier.arrive $0xFFFF  }
0xaf: {  	_ =	shalt  }

// kernel: kernel.9.cloned.1.call-start
scs
__scs_entry_jumppad:
0x0: {  	(pc) =	sbr.rel $0x88, $3  }
0x1: {  	(tag) =	ssettag $0x0;
	lr =	simm.s32 $0x1  }
0x2: {  	[smem:$0x3F97] =	sst lr;
	_ =	strace $0xD0000000  }
0x3: {  	_ = 	snop  }
0x4: {  	_ = 	snop  }
0x5: {  	_ = 	snop  }
0x6: {  	_ = 	snop  }
0x7: {  	_ = 	snop  }
__scs_overlays_trampoline_lowered:
0x8: {  	[smem:$0x3FA6] =	sst s0  }
0x9: {  	[smem:$0x3FA7] =	sst s1  }
0xa: {  	[smem:$0x3FA8] =	sst s2  }
0xb: {  	[smem:$0x3FA9] =	sst s3  }
0xc: {  	[smem:$0x3FAA] =	sst s4  }
0xd: {  	[smem:$0x3FAB] =	sst s5  }
0xe: {  	[smem:$0x3FAC] =	sst s6  }
0xf: {  	[smem:$0x3FAD] =	sst s7  }
0x10: {  	[smem:$0x3FAE] =	sst s8  }
0x11: {  	[smem:$0x3FAF] =	sst s9;
	s0 =	simm.s32 @!p0 $0x0  }
0x12: {  	s1 =	sld [smem:$0x3F95];
	s0 =	simm.s32 @p0 $0x1  }
0x13: {  	[smem:$0x3FB0] =	sst s0;
	s0 =	simm.s32 @!p1 $0x0  }
0x14: {  	s2 =	sld [smem:$0x3F94];
	s0 =	simm.s32 @p1 $0x1  }
0x15: {  	[smem:$0x3FB1] =	sst s0;
	s0 =	simm.s32 @!p2 $0x0  }
0x16: {  	s3 =	sld [smem:$0x3FDB];
	s0 =	simm.s32 @p2 $0x1  }
0x17: {  	s4 =	simm.s32 $0x1BF5;
	[smem:$0x3FB3] =	sst s0  }
0x18: {  	s0 =	sld [smem:$0x3F96];
	_ =	swait.ge [sflag:s4], $0x0  }
0x19: {  	s7 =	sld [smem:$0x3F97]  }
0x1a: {  	s8 =	sadd.s32 $0xFFFFE003, lr  }
0x1b: {  	s9 =	sadd.s32 $0xFFFFFEF7, lr;
	s5 =	simm.s32 $0xFFFFFFFF;
	p2 =	slt.u32 s8, $0xFFFFF086  }
0x1c: {  	p1 =	slt.u32 s9, $0xF7A;
	s5 =	simm.s32 @!p2 $0x0  }
0x1d: {  	s5 =	simm.s32 @p1 $0x1;
	p0 =	seq.s32 s7, s2  }
0x1e: {  	s7 =	smul.u32 @!p0 $0xF7A, s2;
	p2 =	seq.s32 @!p0 s5, $0x0  }
0x1f: {  	s9 =	smul.u32 $0xF7A, s1;
	s8 =	simm.s32 @!p0 $0x1BF5;
	p2 =	por !p2, p0  }
0x20: {  	[sflag:s8] =	ssyncset.s32 @!p0 $0xFFFFF086;
	s6 =	sadd.s32 @!p0 s3, s7;
	s7 =	simm.s32 @!p0 $0x108  }
0x21: {  	s3 =	sadd.s32 s3, s9;
	s6 =	sadd.s32 @!p0 $0x88, s6;
	s7 =	simm.s32 @p2 $0x1082  }
0x22: {  	[simem:s7], [sflag:s8] =	dma.local @!p0 [hbm:s6], $0xF7A  }
0x23: {  	s9 =	sor.u32 $0xD0000000, s2;
	s6 =	simm.s32 $0x108;
	_ =	swait.ge @!p0 [sflag:s8], $0x0  }
0x24: {  	s3 =	sadd.s32 $0x88, s3;
	s6 =	simm.s32 @!p1 $0x1082;
	[sflag:s4] =	ssyncset.s32 $0xFFFFF086  }
0x25: {  	[simem:s6], [sflag:s4] =	dma.local [hbm:s3], $0xF7A  }
0x26: {  	[smem:$0x3F97] =	sst s1;
	(tag) =	ssettag s2;
	_ =	strace s9  }
0x27: {  	s1 =	sld [smem:$0x3FA7]  }
0x28: {  	s2 =	sld [smem:$0x3FA8]  }
0x29: {  	s4 =	sld [smem:$0x3FAA]  }
0x2a: {  	p0 =	seq.s32 s5, $0x0;
	s5 =	sld [smem:$0x3FAB]  }
0x2b: {  	s6 =	sld [smem:$0x3FAC]  }
0x2c: {  	s7 =	sld [smem:$0x3FAD]  }
0x2d: {  	s3 =	simm.s32 $0x108;
	s8 =	sld [smem:$0x3FAE]  }
0x2e: {  	s3 =	simm.s32 @!p0 $0x1082;
	s9 =	sld [smem:$0x3FAF]  }
0x2f: {  	lr =	sadd.s32 s0, s3;
	s0 =	sld [smem:$0x3FA6]  }
0x30: {  	s3 =	sld [smem:$0x3FA9]  }
0x31: {  	[smem:$0x3FB2] =	sst s10  }
0x32: {  	s10 =	sld [smem:$0x3FB0];
	_ =	sdelay $0x3  }
0x33: {  	p0 =	seq.s32 s10, $0x1;
	s10 =	sld [smem:$0x3FB2];
	_ =	sdelay $0x3  }
0x34: {  	[smem:$0x3FB2] =	sst s10  }
0x35: {  	s10 =	sld [smem:$0x3FB1];
	_ =	sdelay $0x3  }
0x36: {  	p1 =	seq.s32 s10, $0x1;
	s10 =	sld [smem:$0x3FB2];
	_ =	sdelay $0x3  }
0x37: {  	[smem:$0x3FB2] =	sst s10  }
0x38: {  	s10 =	sld [smem:$0x3FB3]  }
0x39: {  	_ = 	snop;
	(pc) =	sbr.ind lr, $3  }
0x3a: {  	_ = 	snop  }
0x3b: {  	_ = 	snop  }
0x3c: {  	p2 =	seq.s32 s10, $0x1;
	s10 =	sld [smem:$0x3FB2]  }
0x3d: {  	_ =	shalt  }
0x3e: {  	_ =	shalt  }
0x3f: {  	_ =	shalt  }
0x40: {  	_ =	shalt  }
0x41: {  	_ =	shalt  }
0x42: {  	_ =	shalt  }
0x43: {  	_ =	shalt  }
0x44: {  	_ =	shalt  }
0x45: {  	_ =	shalt  }
0x46: {  	_ =	shalt  }
0x47: {  	_ =	shalt  }
0x48: {  	_ =	shalt  }
0x49: {  	_ =	shalt  }
0x4a: {  	_ =	shalt  }
0x4b: {  	_ =	shalt  }
0x4c: {  	_ =	shalt  }
0x4d: {  	_ =	shalt  }
0x4e: {  	_ =	shalt  }
0x4f: {  	_ =	shalt  }
0x50: {  	_ =	shalt  }
0x51: {  	_ =	shalt  }
0x52: {  	_ =	shalt  }
0x53: {  	_ =	shalt  }
0x54: {  	_ =	shalt  }
0x55: {  	_ =	shalt  }
0x56: {  	_ =	shalt  }
0x57: {  	_ =	shalt  }
0x58: {  	_ =	shalt  }
0x59: {  	_ =	shalt  }
0x5a: {  	_ =	shalt  }
0x5b: {  	_ =	shalt  }
0x5c: {  	_ =	shalt  }
0x5d: {  	_ =	shalt  }
0x5e: {  	_ =	shalt  }
0x5f: {  	_ =	shalt  }
0x60: {  	_ =	shalt  }
0x61: {  	_ =	shalt  }
0x62: {  	_ =	shalt  }
0x63: {  	_ =	shalt  }
0x64: {  	_ =	shalt  }
0x65: {  	_ =	shalt  }
0x66: {  	_ =	shalt  }
0x67: {  	_ =	shalt  }
0x68: {  	_ =	shalt  }
0x69: {  	_ =	shalt  }
0x6a: {  	_ =	shalt  }
0x6b: {  	_ =	shalt  }
0x6c: {  	_ =	shalt  }
0x6d: {  	_ =	shalt  }
0x6e: {  	_ =	shalt  }
0x6f: {  	_ =	shalt  }
0x70: {  	_ =	shalt  }
0x71: {  	_ =	shalt  }
0x72: {  	_ =	shalt  }
0x73: {  	_ =	shalt  }
0x74: {  	_ =	shalt  }
0x75: {  	_ =	shalt  }
0x76: {  	_ =	shalt  }
0x77: {  	_ =	shalt  }
0x78: {  	_ =	shalt  }
0x79: {  	_ =	shalt  }
0x7a: {  	_ =	shalt  }
0x7b: {  	_ =	shalt  }
0x7c: {  	_ =	shalt  }
0x7d: {  	_ =	shalt  }
0x7e: {  	_ =	shalt  }
0x7f: {  	_ =	shalt  }
0x80: {  	_ =	shalt  }
0x81: {  	_ =	shalt  }
0x82: {  	_ =	shalt  }
0x83: {  	_ =	shalt  }
0x84: {  	_ =	shalt  }
0x85: {  	_ =	shalt  }
0x86: {  	_ =	shalt  }
0x87: {  	_ =	shalt  }
.Lfunc_end0:
.L_simem_size_0:
called_computation.1_lowered:
.L_overlay_start_0:
0x88: {  	s2 =	sld [smem:$0x3FD9]  }
0x89: {  	s3 =	sld [smem:$0x3FFE];
	_ =	sdelay $0x1  }
0x8a: {  	s1 =	srdreg.scid  }
0x8b: {  	s0 =	sand.u32 $0x1, s1  }
0x8c: {  	s17 =	sshll.u32 s0, $0xA;
	s2 =	sadd.s32 s3, s2  }
0x8d: {  	s2 =	sadd.s32 s2, s17  }
0x8e: {  	[smem:$0x3FBE] =	sst s2  }
0x8f: {  	_ = 	snop  }
0x90: {  	s2 =	sld [smem:$0x3FD0];
	(tm) =	ssettm $0x1  }
0x91: {  	s18 =	sld [smem:$0x3FFB];
	_ =	sdelay $0x3  }
0x92: {  	_ =	strace s18  }
0x93: {  	s3 =	sld [smem:$0x3FFC];
	_ =	sdelay $0x3  }
0x94: {  	_ =	strace s3  }
0x95: {  	s3 =	sld [smem:$0x3FFD];
	_ =	sdelay $0x3  }
0x96: {  	_ =	strace s3  }
0x97: {  	_ =	strace $0x8FFFFFFF  }
0x98: {  	s19 =	sld [smem:$0x3FDB];
	_ =	sdelay $0x1  }
0x99: {  	s4 =	simm.s32 $_scs_section_size  }
0x9a: {  	s5 =	simm.s32 $_size__tile_overlayer_lowered;
	s6 =	simm.s32 $_tile_overlayer_lowered  }
0x9b: {  	s22 =	simm.s32 $0x1BFF;
	s21 =	sshll.u32 s6, $0x1;
	s3 =	sadd.s32 s4, s19  }
0x9c: {  	s7 =	simm.s32 $0x0;
	s20 =	sshll.u32 s5, $0x1;
	s5 =	sadd.s32 s21, s3  }
0x9d: {  	[timem:s7], [sflag:s22] =	dma.local [hbm:s5], s20  }
0x9e: {  	_ =	swait.ge [sflag:s22], s20  }
0x9f: {  	s4 =	ssub.s32 $0x0, s20;
	[sflag:s22] =	ssyncset.done $0x0  }
0xa0: {  	[sflag:s22] =	ssyncadd.s32 s4;
	_ =	sdelay $0x1  }
0xa1: {  	s23 =	simm.s32 $0x1B8B  }
0xa2: {  	_ =	swait.ge [sflag:s23], $0x1  }
0xa3: {  	[sflag:s23] =	ssyncset.done $0x0  }
0xa4: {  	s25 =	simm.s32 $0x1B8E;
	s24 =	sld [smem:$0x3FFE];
	[sflag:s23] =	ssyncadd.s32 $0xFFFFFFFF  }
0xa5: {  	s26 =	simm.s32 $execute0_lowered;
	[smem:$0x3FD2] =	sst s25  }
0xa6: {  	s5 =	sshll.u32 s26, $0x1;
	_ =	strace $0x80000049;
	[dreg:$0x1] =	wrdreg $0xFFFFFFFF  }
0xa7: {  	s28 =	simm.s32 $_size_execute0_lowered;
	s3 =	sadd.s32 s3, s5;
	[dreg:$0x0] =	wrdreg $0x0  }
0xa8: {  	s5 =	sshll.u32 s28, $0x1;
	[dreg:$0x2] =	wrdreg s3  }
0xa9: {  	[dreg:$0x3] =	wrdreg s5  }
0xaa: {  	[dreg:$0x4] =	wrdreg $0xC0  }
0xab: {  	_ =	task [dreg:s7], $0x5FFFF  }
0xac: {  	[dreg:$0x1] =	wrdreg $0xFFFFFFFF  }
0xad: {  	[dreg:$0x0] =	wrdreg $0x60  }
0xae: {  	[dreg:$0x2] =	wrdreg s2  }
0xaf: {  	[dreg:$0x3] =	wrdreg s24  }
0xb0: {  	[dreg:$0x4] =	wrdreg $0xB0000  }
0xb1: {  	[dreg:$0x5] =	wrdreg $0x9  }
0xb2: {  	_ =	task.clear_ibuf [dreg:s7], $0x6FFFF;
	_ =	strace $0x90000049  }
0xb3: {  	s29 =	simm.s32 $0x9;
	_ =	strace $0x8000004B  }
0xb4: {  	_ =	swait.ge [sflag:s29], $0x1  }
0xb5: {  	[sflag:s29] =	ssyncadd.s32 $0xFFFFFFFF  }
0xb6: {  	_ =	strace $0x9000004B  }
0xb7: {  	_ =	sfence  }
0xb8: {  	s30 =	sld [smem:$0x0];
	_ =	sdelay $0x2  }
0xb9: {  	s31 =	sshll.u32 s1, $0xD;
	s1 =	sshrl.u32 s1, $0x2  }
0xba: {  	s3 =	sand.u32 $0x4000, s31;
	s1 =	sadd.s32 s1, s30  }
0xbb: {  	s0 =	sor.u32 s3, s0;
	s1 =	sshll.u32 s1, $0x11  }
0xbc: {  	s0 =	sor.u32 s1, s0  }
0xbd: {  	s0 =	sadd.s32 $0x8F2B, s0  }
0xbe: {  	[sflag:s0] =	ssyncadd.remote.s32 $0x1  }
0xbf: {  	_ =	sfence.sel $0xFFFF  }
0xc0: {  	[dreg:$0x0] =	wrdreg $0xFFFFFFFF;
	(pc) =	sbr.abs _section_cstart, $3  }
0xc1: {  	[dreg:$0x1] =	wrdreg $0xFFFFFFFF  }
0xc2: {  	_ =	task.clear_ibuf [dreg:s7], $0x2FFFF;
	_ =	strace $0x9FFFFFFF  }
0xc3: {  	(tm) =	ssettm $0x7FFFFFFF  }
tec
execute0_lowered:
.L_overlay_start_1:
0x0: {  	(tag) =	ssettag $0x1  }
0x1: {  	s1 =	rddreg [dreg:$0x0]  }
0x2: {  	s0 =	stileid.u32;
	s6 =	rddreg [dreg:$0x1]  }
0x3: {  	s2 =	srdreg.scid;
	s3 =	rddreg [dreg:$0x2];
	s4 =	simm.s32 $0x0  }
0x4: {  	s15 =	simm.s32 $0x7000;
	s16 =	simm.s32 $0x2;
	s5 =	smul.u32 $0x70, s0  }
0x5: {  	s17 =	simm.s32 $0x80;
	s18 =	simm.s32 $0x1;
	s8 =	smul.u32 $0x30, s0  }
0x6: {  	s7 =	sand.u32 $0x1, s2;
	s2 =	rddreg [dreg:$0x3];
	s10 =	smul.u32 $0x13C00, s0  }
0x7: {  	[smem:$0x7FF] =	sst s4;
	s29 =	smul.u32 $0x4F000, s0;
	s19 =	sshll.u32 s0, $0x6  }
0x8: {  	s9 =	smul.u32 $0x13C000, s7;
	p0 =	seq.s32 s7, $0x0;
	_ =	strace $0x8000004A  }
0x9: {  	s30 =	ssub.s32 $0x2, s7;
	s19 =	sor.u32 $0x1C02, s19;
	s8 =	sadd.s32 $0x700, s8  }
0xa: {  	s7 =	sshrl.u32 s30, $0x1;
	s31 =	sshrl.u32 s29, $0x2;
	s8 =	smov.u32 @p0 s5  }
0xb: {  	s28 =	sadd.s32 s10, s9;
	s14 =	ssub.s32 s30, s7;
	s8 =	sshll.u32 s8, $0x4  }
0xc: {  	s5 =	sshrl.u32 s28, $0x3;
	s14 =	smax.u32 s14, $0x1;
	s12 =	sadd.s32 s8, s6  }
0xd: {  	s13 =	sadd.s32 s5, s6;
	s5 =	simm.s32 $0x70;
	s6 =	sadd.s32 s31, s3  }
0xe: {  	s5 =	simm.s32 @!p0 $0x30;
	s7 =	sadd.s32 $0x4000, s6;
	s8 =	sadd.s32 $0x8000, s6  }
0xf: {  	s9 =	sadd.s32 $0xC000, s6;
	s10 =	sadd.s32 $0x10000, s6;
	s11 =	sadd.s32 $0xD000, s12  }
0x10: {  	v0 =	vimm.f32 $0.0e+00;
	s12 =	sadd.s32 $0x2C00, s12;
	s13 =	sadd.s32 $0x17400, s13;
	s20 =	sshrl.u32 s6, $0x3  }
.LBB2_1:
0x11: {  	s21 =	simm.s32 $0x0;
	s22 =	simm.s32 $0x200  }
.LBB2_2:
0x12: {  	p0 =	sne.s32 s22, $0xFE00;
	[tilespmem:s21+$0x7070] =	vst v0  }
0x13: {  	[tilespmem:s21+$0x7000] =	vst v0  }
0x14: {  	[tilespmem:s21+$0x7010] =	vst v0  }
.Ltmp0:
0x15: {  	[tilespmem:s21+$0x7020] =	vst v0;
	(pc) =	sbr.rel @p0 .LBB2_2-.Ltmp0, $4  }
0x16: {  	[tilespmem:s21+$0x7030] =	vst v0  }
0x17: {  	[tilespmem:s21+$0x7040] =	vst v0  }
0x18: {  	[tilespmem:s21+$0x7050] =	vst v0  }
0x19: {  	[tilespmem:s21+$0x7060] =	vst v0;
	s21 =	sshra.s32 s22, $0x2;
	s22 =	sadd.s32 $0x200, s22  }
0x1a: {  	[tilespmem:s21+$0x7070] =	vst v0  }
0x1b: {  	[tilespmem:s21+$0x7000] =	vst v0  }
0x1c: {  	[tilespmem:s21+$0x7010] =	vst v0  }
0x1d: {  	[tilespmem:s21+$0x7020] =	vst v0  }
0x1e: {  	[tilespmem:s21+$0x7030] =	vst v0  }
0x1f: {  	[tilespmem:s21+$0x7040] =	vst v0  }
0x20: {  	[tilespmem:s21+$0x7050] =	vst v0  }
0x21: {  	[tilespmem:s21+$0x7060] =	vst v0  }
0x22: {  	[spmem:s6] =	stream.linear.scatter [tilespmem:s15], [sflag:$0x2], $0x4000, $0x38;
	[tilespmem:$0x1EC00] =	vst v63  }
0x23: {  	_ =	swait.ge [sflag:s16], $0x4000  }
0x24: {  	[sflag:s16] =	ssyncset.done $0x0  }
0x25: {  	[sflag:s16] =	ssyncadd.s32 $0xFFFFC000  }
0x26: {  	[spmem:s7] =	stream.linear.scatter [tilespmem:s15], [sflag:$0x2], $0x4000, $0x38;
	[tilespmem:$0x1EC00] =	vst v63  }
0x27: {  	_ =	swait.ge [sflag:s16], $0x4000  }
0x28: {  	[sflag:s16] =	ssyncset.done $0x0  }
0x29: {  	[sflag:s16] =	ssyncadd.s32 $0xFFFFC000  }
0x2a: {  	[spmem:s8] =	stream.linear.scatter [tilespmem:s15], [sflag:$0x2], $0x4000, $0x38;
	[tilespmem:$0x1EC00] =	vst v63  }
0x2b: {  	_ =	swait.ge [sflag:s16], $0x4000  }
0x2c: {  	[sflag:s16] =	ssyncset.done $0x0  }
0x2d: {  	[sflag:s16] =	ssyncadd.s32 $0xFFFFC000  }
0x2e: {  	[spmem:s9] =	stream.linear.scatter [tilespmem:s15], [sflag:$0x2], $0x4000, $0x38;
	[tilespmem:$0x1EC00] =	vst v63  }
0x2f: {  	_ =	swait.ge [sflag:s16], $0x4000  }
0x30: {  	[sflag:s16] =	ssyncset.done $0x0  }
0x31: {  	[sflag:s16] =	ssyncadd.s32 $0xFFFFC000  }
0x32: {  	[spmem:s10] =	stream.linear.scatter [tilespmem:s15], [sflag:$0x2], $0x3C00, $0x38;
	[tilespmem:$0x1EC00] =	vst v63  }
0x33: {  	_ =	swait.ge [sflag:s16], $0x3C00  }
0x34: {  	[sflag:s16] =	ssyncset.done $0x0  }
0x35: {  	s21 =	simm.s32 $0x0;
	[sflag:s16] =	ssyncadd.s32 $0xFFFFC400  }
0x36: {  	[tilespmem:s21], [sflag:$0x2] =	stream.linear.gather [hbm4b:s11+s21], $0x3800, $0x38;
	[tilespmem:$0x1EC00] =	vst v63  }
0x37: {  	_ =	swait.ge [sflag:s16], $0x3800  }
0x38: {  	[sflag:s16] =	ssyncset.done $0x0  }
0x39: {  	s22 =	simm.s32 $0x3800;
	[sflag:s16] =	ssyncadd.s32 $0xFFFFC800  }
0x3a: {  	[tilespmem:s22], [sflag:$0x2] =	stream.linear.gather [hbm4b:s12+s21], $0x3800, $0x38;
	[tilespmem:$0x1EC00] =	vst v63  }
0x3b: {  	_ =	swait.ge [sflag:s16], $0x3800  }
0x3c: {  	[sflag:s16] =	ssyncset.done $0x0  }
0x3d: {  	[sflag:s16] =	ssyncadd.s32 $0xFFFFC800  }
0x3e: {  	[bflag:$0x0] =	sbarrier.arrive $0xFFFF  }
0x3f: {  	[tilespmem:s15], [sflag:$0x1] =	stream.indirect.gather [hbm4b:s1+s17], $0x80, s21, s17, $0xb8;
	[tilespmem:$0x1EC00] =	vst v63  }
0x40: {  	p0 =	sne.s32 s5, $0x1;
	_ =	swait.ge [sflag:s18], $0x4000  }
.Ltmp1:
0x41: {  	[sflag:s18] =	ssyncset.done $0x0;
	(pc) =	sbr.rel @!p0 .LBB2_5-.Ltmp1, $4  }
0x42: {  	[sflag:s18] =	ssyncadd.s32 $0xFFFFC000  }
0x43: {  	[spmem:s3] =	stream.indirect.scatter.add.f32 [tilespmem:s15], [sflag:$0x2], $0x80, s22, s17, $0xb8;
	[tilespmem:$0x1EC00] =	vst v63  }
0x44: {  	_ =	swait.ge [sflag:s16], $0x4000  }
0x45: {  	s23 =	sadd.s32 $0xFFFFFFFF, s5;
	[sflag:s16] =	ssyncset.done $0x0  }
.LBB2_4:
0x46: {  	[sflag:s16] =	ssyncadd.s32 $0xFFFFC000;
	s21 =	sadd.s32 $0x80, s21;
	s22 =	sadd.s32 $0x80, s22  }
0x47: {  	[tilespmem:s15], [sflag:$0x1] =	stream.indirect.gather [hbm4b:s1+s17], $0x80, s21, s17, $0xb8;
	[tilespmem:$0x1EC00] =	vst v63  }
0x48: {  	p0 =	sne.s32 s23, $0x1;
	s23 =	sadd.s32 $0xFFFFFFFF, s23;
	_ =	swait.ge [sflag:s18], $0x4000  }
.Ltmp2:
0x49: {  	[sflag:s18] =	ssyncset.done $0x0;
	(pc) =	sbr.rel @p0 .LBB2_4-.Ltmp2, $4  }
0x4a: {  	[sflag:s18] =	ssyncadd.s32 $0xFFFFC000  }
0x4b: {  	[spmem:s3] =	stream.indirect.scatter.add.f32 [tilespmem:s15], [sflag:$0x2], $0x80, s22, s17, $0xb8;
	[tilespmem:$0x1EC00] =	vst v63  }
0x4c: {  	_ =	swait.ge [sflag:s16], $0x4000  }
0x4d: {  	[sflag:s16] =	ssyncset.done $0x0  }
.LBB2_5:
0x4e: {  	s4 =	sadd.s32 $0x1, s4  }
0x4f: {  	[sflag:s16] =	ssyncadd.s32 $0xFFFFC000;
	p0 =	sne.s32 s4, s14  }
.Ltmp3:
0x50: {  	[bflag:$0x0] =	sbarrier.arrive $0xFFFF;
	(pc) =	sbr.rel @p0 .LBB2_1-.Ltmp3, $4  }
0x51: {  	[hbm:s13], [sflag:s19] =	dma.local [spmem:s20], $0x2780  }
0x52: {  	_ =	swait.ge [sflag:s16], $0x2780  }
0x53: {  	[sflag:s16] =	ssyncset.done $0x0  }
0x54: {  	[sflag:s16] =	ssyncadd.s32 $0xFFFFD880  }
0x55: {  	_ =	sfence.sel $0x180000  }
0x56: {  	[bflag:$0x0] =	sbarrier.arrive $0xFFFF  }
0x57: {  	p0 =	sne.s32 s0, $0x0;
	_ =	strace $0x9000004A  }
0x58: {  	s0 =	sadd.s32 @!p0 $0x100000, s2;
	[bflag:$0x2] =	sbarrier.arrive $0xFFFF  }
0x59: {  	[sflag:s0] =	ssyncadd.tile.s32 @!p0 $0x1;
	_ =	shalt  }
.Lfunc_end2:
_tile_overlayer_lowered:
.L_overlay_start_2:
0x5a: {  	(tag) =	ssettag $0x2  }
0x5b: {  	s0 =	rddreg [dreg:$0x0];
	s2 =	stileid.u32  }
0x5c: {  	s1 =	rddreg [dreg:$0x1];
	p0 =	sne.s32 s2, $0x0  }
0x5d: {  	s3 =	rddreg [dreg:$0x2];
	[bflag:$0x3] =	sbarrier.arrive $0xFFFF;
	s2 =	simm.s32 @!p0 $0x1C02  }
0x5e: {  	[timem:s3], [sflag:s2] =	dma.local @!p0 [hbm:s0], s1  }
0x5f: {  	s0 =	simm.s32 @!p0 $0x2  }
0x60: {  	_ =	swait.ge @!p0 [sflag:s0], s1  }
0x61: {  	s1 =	ssub.s32 @!p0 $0x0, s1;
	[sflag:s0] =	ssyncset.done @!p0 $0x0  }
0x62: {  	[sflag:s0] =	ssyncadd.s32 @!p0 s1  }
0x63: {  	[bflag:$0x3] =	sbarrier.arrive $0xFFFF  }
0x64: {  	_ =	shalt  }

</sc_bundles>
